<compile_context>
chip_gen: v7x
topology: tpu7x:2x2x1
jax: 0.10.2.dev20260603
libtpu: 0.0.44.dev20260713+nightly
codegen_flags: <defaults>
</compile_context>

<pallas_src>
import functools

import jax
import jax.numpy as jnp
from jax import lax
from jax.experimental import pallas as pl
from jax.experimental.pallas import tpu as pltpu
from jax.experimental.pallas import tpu_sc as plsc

N_NODES = 10000
N_PAD = 10240
N_EDGES = 320000
NW = 32
N_CHUNK = 125
CHUNK = 80
EPW = N_EDGES // NW
EPT = N_CHUNK * CHUNK
PADE = EPT - EPW
ROWS_PER_TILE = N_PAD // 16
FEAT = 128


def _sc_edge_agg(table, src_flat, dst3, zeros_hbm):
    mesh = plsc.VectorSubcoreMesh(core_axis_name="c", subcore_axis_name="s")

    @functools.partial(
        pl.kernel,
        out_type=jax.ShapeDtypeStruct((2, N_PAD, FEAT), jnp.float32),
        mesh=mesh,
        scratch_types=[
            pltpu.VMEM((EPT,), jnp.int32),
            pltpu.VMEM((EPT,), jnp.int32),
            pltpu.VMEM((CHUNK, FEAT), jnp.float32),
            pltpu.VMEM((CHUNK, FEAT), jnp.float32),
            pltpu.VMEM_SHARED((N_PAD, FEAT), jnp.float32),
            pltpu.SemaphoreType.DMA,
            pltpu.SemaphoreType.DMA,
        ],
    )
    def k(table_h, src_h, dst_h, zeros_h, out_h,
          src_v, dst_v, rows_a, rows_b, acc_sh, sem_a, sem_b):
        c = lax.axis_index("c")
        s = lax.axis_index("s")
        w = c * 16 + s
        pltpu.sync_copy(src_h.at[pl.ds(w * EPT, EPT)], src_v)
        pltpu.sync_copy(dst_h.at[pl.ds(w * EPT, EPT)], dst_v)
        pltpu.sync_copy(zeros_h, acc_sh.at[pl.ds(s * ROWS_PER_TILE, ROWS_PER_TILE)])
        plsc.subcore_barrier()

        def src_of(j):
            return src_v.at[pl.ds(j * CHUNK, CHUNK)]

        def dst_of(j):
            return dst_v.at[pl.ds(j * CHUNK, CHUNK)]

        pltpu.async_copy(table_h.at[src_of(0)], rows_a, sem_a)

        def pair(i, carry):
            j0 = 2 * i
            gb = pltpu.async_copy(table_h.at[src_of(j0 + 1)], rows_b, sem_b)
            pltpu.make_async_copy(table_h.at[src_of(j0)], rows_a, sem_a).wait()
            pltpu.sync_copy(rows_a, acc_sh.at[dst_of(j0)], add=True)

            @pl.when(j0 + 2 < N_CHUNK)
            def _():
                pltpu.async_copy(table_h.at[src_of(j0 + 2)], rows_a, sem_a)

            gb.wait()
            pltpu.sync_copy(rows_b, acc_sh.at[dst_of(j0 + 1)], add=True)
            return carry

        lax.fori_loop(0, N_CHUNK // 2, pair, 0)
        if N_CHUNK % 2:
            last = N_CHUNK - 1
            pltpu.make_async_copy(table_h.at[src_of(last)], rows_a, sem_a).wait()
            pltpu.sync_copy(rows_a, acc_sh.at[dst_of(last)], add=True)
        plsc.subcore_barrier()
        sl = pl.ds(s * ROWS_PER_TILE, ROWS_PER_TILE)
        pltpu.sync_copy(acc_sh.at[sl], out_h.at[c].at[sl])

    return k(table, src_flat, dst3, zeros_hbm)


def _sc_degree(dst_flat, ones_hbm, zeros_hbm):
    mesh = plsc.VectorSubcoreMesh(core_axis_name="c", subcore_axis_name="s")

    @functools.partial(
        pl.kernel,
        out_type=jax.ShapeDtypeStruct((2 * N_PAD,), jnp.float32),
        mesh=mesh,
        scratch_types=[
            pltpu.VMEM((EPT,), jnp.int32),
            pltpu.VMEM((CHUNK,), jnp.float32),
            pltpu.VMEM_SHARED((N_PAD,), jnp.float32),
            pltpu.SemaphoreType.DMA,
        ],
    )
    def k(dst_h, ones_h, zeros_h, out_h, dst_v, ones_v, acc_sh, sem_a):
        c = lax.axis_index("c")
        s = lax.axis_index("s")
        w = c * 16 + s
        pltpu.sync_copy(dst_h.at[pl.ds(w * EPT, EPT)], dst_v)
        pltpu.sync_copy(ones_h, ones_v)
        pltpu.sync_copy(zeros_h, acc_sh.at[pl.ds(s * ROWS_PER_TILE, ROWS_PER_TILE)])
        plsc.subcore_barrier()

        def body(p, carry):
            pltpu.sync_copy(ones_v, acc_sh.at[dst_v.at[pl.ds(p * CHUNK, CHUNK)]],
                            add=True)
            return carry

        lax.fori_loop(0, N_CHUNK, body, 0)
        plsc.subcore_barrier()
        sl = pl.ds(s * ROWS_PER_TILE, ROWS_PER_TILE)
        pltpu.sync_copy(acc_sh.at[sl],
                        out_h.at[pl.ds(c * N_PAD + s * ROWS_PER_TILE,
                                       ROWS_PER_TILE)])

    return k(dst_flat, ones_hbm, zeros_hbm)


_R = 1000


def _part_specs():
    return [
        pl.BlockSpec((1, _R, FEAT), lambda i: (0, i, 0)),
        pl.BlockSpec((1, _R, FEAT), lambda i: (1, i, 0)),
    ]


def _tc_encode1(x, W1, p0, p1):

    def body(x_r, w_r, d0_r, d1_r, h_r, dis_r):
        deg = 1.0 + d0_r[...] + d1_r[...]
        dis = lax.rsqrt(deg)
        h = jnp.dot(x_r[...], w_r[...], preferred_element_type=jnp.float32,
                    precision=lax.Precision.HIGHEST)
        h_r[...] = h * dis
        dis_r[...] = dis

    return pl.pallas_call(
        body,
        grid=(N_NODES // _R,),
        in_specs=[
            pl.BlockSpec((_R, 128), lambda i: (i, 0)),
            pl.BlockSpec((128, 128), lambda i: (0, 0)),
            pl.BlockSpec((_R, 1), lambda i: (i, 0)),
            pl.BlockSpec((_R, 1), lambda i: (i, 0)),
        ],
        out_specs=[
            pl.BlockSpec((_R, 128), lambda i: (i, 0)),
            pl.BlockSpec((_R, 1), lambda i: (i, 0)),
        ],
        out_shape=[
            jax.ShapeDtypeStruct((N_NODES, 128), jnp.float32),
            jax.ShapeDtypeStruct((N_NODES, 1), jnp.float32),
        ],
    )(x, W1, p0, p1)


def _tc_encode2(aggp, h1p, dis, b1, W2):

    def body(a0_r, a1_r, h1p_r, dis_r, b1_r, w2_r, o_r):
        t = (a0_r[0] + a1_r[0] + h1p_r[...]) * dis_r[...] + b1_r[...]
        o = jnp.maximum(t, 0.0)
        h2 = jnp.dot(o, w2_r[...], preferred_element_type=jnp.float32,
                     precision=lax.Precision.HIGHEST)
        o_r[...] = jnp.concatenate(
            [h2 * dis_r[...], jnp.zeros((h2.shape[0], 64), jnp.float32)], axis=1)

    return pl.pallas_call(
        body,
        grid=(N_NODES // _R,),
        in_specs=_part_specs() + [
            pl.BlockSpec((_R, 128), lambda i: (i, 0)),
            pl.BlockSpec((_R, 1), lambda i: (i, 0)),
            pl.BlockSpec((1, 128), lambda i: (0, 0)),
            pl.BlockSpec((128, 64), lambda i: (0, 0)),
        ],
        out_specs=pl.BlockSpec((_R, 128), lambda i: (i, 0)),
        out_shape=jax.ShapeDtypeStruct((N_NODES, 128), jnp.float32),
    )(aggp, aggp, h1p, dis, b1, W2)


def _tc_decode(aggp, h2p, dis, b2p, Wdp, bd):

    def body(a0_r, a1_r, h2p_r, dis_r, b2_r, wd_r, bd_r, o_r):
        z = (a0_r[0] + a1_r[0] + h2p_r[...]) * dis_r[...] + b2_r[...]
        dec = jnp.dot(z, wd_r[...], preferred_element_type=jnp.float32,
                      precision=lax.Precision.HIGHEST) + bd_r[...]
        o_r[...] = 1.0 / (1.0 + jnp.exp(-dec))

    return pl.pallas_call(
        body,
        grid=(N_NODES // _R,),
        in_specs=_part_specs() + [
            pl.BlockSpec((_R, 128), lambda i: (i, 0)),
            pl.BlockSpec((_R, 1), lambda i: (i, 0)),
            pl.BlockSpec((1, 128), lambda i: (0, 0)),
            pl.BlockSpec((128, 128), lambda i: (0, 0)),
            pl.BlockSpec((1, 128), lambda i: (0, 0)),
        ],
        out_specs=pl.BlockSpec((_R, 128), lambda i: (i, 0)),
        out_shape=jax.ShapeDtypeStruct((N_NODES, 128), jnp.float32),
    )(aggp, aggp, h2p, dis, b2p, Wdp, bd)


def kernel(x, edge_index, W1, b1, W2, b2, Wd, bd):
    srcw = edge_index[0].reshape(NW, EPW)
    dstw = edge_index[1].reshape(NW, EPW)
    pad_s = jnp.zeros((NW, PADE), jnp.int32)
    pad_d = jnp.broadcast_to(N_NODES + jnp.arange(PADE, dtype=jnp.int32),
                             (NW, PADE))
    if PADE:
        srcw = jnp.concatenate([srcw, pad_s], axis=1)
        dstw = jnp.concatenate([dstw, pad_d], axis=1)
    src_flat = srcw.reshape(NW * EPT)
    dst_flat = dstw.reshape(NW * EPT)

    zeros128 = jnp.zeros((ROWS_PER_TILE, FEAT), jnp.float32)
    zeros1 = jnp.zeros((ROWS_PER_TILE,), jnp.float32)
    ones1 = jnp.ones((CHUNK,), jnp.float32)
    degv = _sc_degree(dst_flat, ones1, zeros1)
    p0 = degv[:N_NODES, None]
    p1 = degv[N_PAD:N_PAD + N_NODES, None]

    h1p, dis = _tc_encode1(x, W1, p0, p1)

    agg1 = _sc_edge_agg(h1p, src_flat, dst_flat, zeros128)
    h2p = _tc_encode2(agg1, h1p, dis, b1.reshape(1, 128), W2)

    agg2 = _sc_edge_agg(h2p, src_flat, dst_flat, zeros128)
    b2p = jnp.zeros((1, 128), jnp.float32).at[0, :64].set(b2)
    Wdp = jnp.zeros((128, 128), jnp.float32).at[:64, :].set(Wd)
    return _tc_decode(agg2, h2p, dis, b2p, Wdp, bd.reshape(1, 128))

# --- scband reference (transcript-rebuilt; emitter-appended) ---
"""Pipeline reference for scband-graph-autoencoder-7352984011022 (READ-ONLY COPY).

The authoritative reference and input builder live on the scoring server;
editing this copy changes nothing except your own understanding.
"""

import jax, jax.numpy as jnp
import numpy as np

N_NODES = 10000
N_EDGES = 320000
D_FEAT = 128
HIDDEN = 128
Z_DIM = 64


def _gcn_conv(x, edge_index, W, b):
    N = x.shape[0]
    src = edge_index[0]
    dst = edge_index[1]
    loop = jnp.arange(N, dtype=edge_index.dtype)
    src = jnp.concatenate([src, loop])
    dst = jnp.concatenate([dst, loop])
    deg = jnp.zeros((N,), dtype=x.dtype).at[dst].add(1.0)
    deg_inv_sqrt = jnp.where(deg > 0, deg ** -0.5, 0.0)
    norm = deg_inv_sqrt[src] * deg_inv_sqrt[dst]
    h = x @ W
    msg = h[src] * norm[:, None]
    out = jnp.zeros((N, W.shape[1]), dtype=x.dtype).at[dst].add(msg)
    return out + b


def setup_inputs(seed: int = 0) -> dict:
    key = jax.random.key(seed)
    ks = jax.random.split(key, 8)
    x = jax.random.normal(ks[0], (N_NODES, D_FEAT), dtype=jnp.float32)
    edge_index = jax.random.randint(ks[1], (2, N_EDGES), 0, N_NODES, dtype=jnp.int64 if jax.config.jax_enable_x64 else jnp.int32).astype(jnp.int32)
    W1 = jax.random.normal(ks[2], (D_FEAT, HIDDEN), dtype=jnp.float32) * (1.0 / np.sqrt(D_FEAT))
    b1 = jnp.zeros((HIDDEN,), dtype=jnp.float32)
    W2 = jax.random.normal(ks[3], (HIDDEN, Z_DIM), dtype=jnp.float32) * (1.0 / np.sqrt(HIDDEN))
    b2 = jnp.zeros((Z_DIM,), dtype=jnp.float32)
    Wd = jax.random.normal(ks[4], (Z_DIM, D_FEAT), dtype=jnp.float32) * (1.0 / np.sqrt(Z_DIM))
    bd = jnp.zeros((D_FEAT,), dtype=jnp.float32)
    return {"x": x, "edge_index": edge_index, "W1": W1, "b1": b1, "W2": W2, "b2": b2, "Wd": Wd, "bd": bd}


def reference(x, edge_index, W1, b1, W2, b2, Wd, bd):
    h = _gcn_conv(x, edge_index, W1, b1)
    h = jax.nn.relu(h)
    z = _gcn_conv(h, edge_index, W2, b2)
    dec = z @ Wd + bd
    return jax.nn.sigmoid(dec)

if __name__ == "__main__":
    import jax
    _d = setup_inputs()
    print(jax.jit(kernel)(*tuple(_d.values())))

</pallas_src>

<mosaic_0001>
#map = affine_map<(d0, d1) -> (0, 0)>
#map1 = affine_map<(d0, d1) -> (0)>
#map2 = affine_map<(d0, d1) -> (0, 0, 0)>
module attributes {stable_mosaic.version = 14 : i64} {
  func.func @k(%arg0: i32, %arg1: i32, %arg2: memref<10000x128xf32, #tpu.memory_space<hbm>>, %arg3: memref<320000xi32, #tpu.memory_space<hbm>>, %arg4: memref<320000xi32, #tpu.memory_space<hbm>>, %arg5: memref<640x128xf32, #tpu.memory_space<hbm>>, %arg6: memref<2x10240x128xf32, #tpu.memory_space<hbm>>, %arg7: memref<10000xi32, #tpu.memory_space<vmem>>, %arg8: memref<10000xi32, #tpu.memory_space<vmem>>, %arg9: memref<80x128xf32, #tpu.memory_space<vmem>>, %arg10: memref<80x128xf32, #tpu.memory_space<vmem>>, %arg11: memref<10240x128xf32, #tpu.memory_space<vmem_shared>>, %arg12: memref<!tpu.dma_semaphore, #tpu.memory_space<semaphore_mem>>, %arg13: memref<!tpu.dma_semaphore, #tpu.memory_space<semaphore_mem>>) attributes {dimension_semantics = [#tpu.dimension_semantics<core_parallel>, #tpu.dimension_semantics<subcore_parallel>], iteration_bounds = array<i64: 2, 16>, scalar_prefetch = 0 : i64, scratch_operands = 7 : i64, tpu.core_type = #tpu.core_type<sc_vector_subcore>, window_params = [{transform_indices = #map}, {transform_indices = #map1}, {transform_indices = #map1}, {transform_indices = #map}, {transform_indices = #map2}]} {
    %mul3A = arith.constant 16 : i32
    %mul3A_0 = arith.muli %arg0, %mul3A : i32
    %add3A = arith.addi %mul3A_0, %arg1 : i32
    %mul3A_1 = arith.constant 10000 : i32
    %mul3A_2 = arith.muli %add3A, %mul3A_1 : i32
    "tpu.region"() ({
      %run_scoped3A = tpu.sem_alloc : memref<!tpu.dma_semaphore, #tpu.memory_space<semaphore_mem>>
      %dma_start3A_23 = tpu.memref_slice %arg3[%mul3A_2] : memref<320000xi32, #tpu.memory_space<hbm>> -> memref<10000xi32, #tpu.memory_space<hbm>>
      %dma_start3A_24 = tpu.memref_slice %arg3[%mul3A_2] : memref<320000xi32, #tpu.memory_space<hbm>> -> memref<10000xi32, #tpu.memory_space<hbm>>
      tpu.enqueue_dma source(%dma_start3A_24 : memref<10000xi32, #tpu.memory_space<hbm>>) target(%arg7 : memref<10000xi32, #tpu.memory_space<vmem>>) target_semaphore(%run_scoped3A : memref<!tpu.dma_semaphore, #tpu.memory_space<semaphore_mem>>)
      %dma_wait3A_25 = tpu.memref_slice %arg3[%mul3A_2] : memref<320000xi32, #tpu.memory_space<hbm>> -> memref<10000xi32, #tpu.memory_space<hbm>>
      %dma_wait3A_26 = tpu.memref_slice %arg3[%mul3A_2] : memref<320000xi32, #tpu.memory_space<hbm>> -> memref<10000xi32, #tpu.memory_space<hbm>>
      tpu.wait_dma2 semaphore(%run_scoped3A : memref<!tpu.dma_semaphore, #tpu.memory_space<semaphore_mem>>) src(%dma_wait3A_26 : memref<10000xi32, #tpu.memory_space<hbm>>) dst(%arg7 : memref<10000xi32, #tpu.memory_space<vmem>>)
      tpu.yield
    }) : () -> ()
    %mul3A_3 = arith.constant 10000 : i32
    %mul3A_4 = arith.muli %add3A, %mul3A_3 : i32
    "tpu.region"() ({
      %run_scoped3A = tpu.sem_alloc : memref<!tpu.dma_semaphore, #tpu.memory_space<semaphore_mem>>
      %dma_start3A_23 = tpu.memref_slice %arg4[%mul3A_4] : memref<320000xi32, #tpu.memory_space<hbm>> -> memref<10000xi32, #tpu.memory_space<hbm>>
      %dma_start3A_24 = tpu.memref_slice %arg4[%mul3A_4] : memref<320000xi32, #tpu.memory_space<hbm>> -> memref<10000xi32, #tpu.memory_space<hbm>>
      tpu.enqueue_dma source(%dma_start3A_24 : memref<10000xi32, #tpu.memory_space<hbm>>) target(%arg8 : memref<10000xi32, #tpu.memory_space<vmem>>) target_semaphore(%run_scoped3A : memref<!tpu.dma_semaphore, #tpu.memory_space<semaphore_mem>>)
      %dma_wait3A_25 = tpu.memref_slice %arg4[%mul3A_4] : memref<320000xi32, #tpu.memory_space<hbm>> -> memref<10000xi32, #tpu.memory_space<hbm>>
      %dma_wait3A_26 = tpu.memref_slice %arg4[%mul3A_4] : memref<320000xi32, #tpu.memory_space<hbm>> -> memref<10000xi32, #tpu.memory_space<hbm>>
      tpu.wait_dma2 semaphore(%run_scoped3A : memref<!tpu.dma_semaphore, #tpu.memory_space<semaphore_mem>>) src(%dma_wait3A_26 : memref<10000xi32, #tpu.memory_space<hbm>>) dst(%arg8 : memref<10000xi32, #tpu.memory_space<vmem>>)
      tpu.yield
    }) : () -> ()
    %mul3A_5 = arith.constant 640 : i32
    %mul3A_6 = arith.muli %arg1, %mul3A_5 : i32
    "tpu.region"() ({
      %run_scoped3A = tpu.sem_alloc : memref<!tpu.dma_semaphore, #tpu.memory_space<semaphore_mem>>
      %dma_start3A_23 = arith.constant 0 : i32
      %dma_start3A_24 = tpu.memref_slice %arg11[%mul3A_6, %dma_start3A_23] : memref<10240x128xf32, #tpu.memory_space<vmem_shared>> -> memref<640x128xf32, #tpu.memory_space<vmem_shared>>
      tpu.enqueue_dma source(%arg5 : memref<640x128xf32, #tpu.memory_space<hbm>>) target(%dma_start3A_24 : memref<640x128xf32, #tpu.memory_space<vmem_shared>>) target_semaphore(%run_scoped3A : memref<!tpu.dma_semaphore, #tpu.memory_space<semaphore_mem>>)
      %dma_wait3A_25 = arith.constant 0 : i32
      %dma_wait3A_26 = tpu.memref_slice %arg11[%mul3A_6, %dma_wait3A_25] : memref<10240x128xf32, #tpu.memory_space<vmem_shared>> -> memref<640x128xf32, #tpu.memory_space<vmem_shared>>
      tpu.wait_dma2 semaphore(%run_scoped3A : memref<!tpu.dma_semaphore, #tpu.memory_space<semaphore_mem>>) src(%arg5 : memref<640x128xf32, #tpu.memory_space<hbm>>) dst(%dma_wait3A_26 : memref<640x128xf32, #tpu.memory_space<vmem_shared>>)
      tpu.yield
    }) : () -> ()
    %barrier3A = arith.constant 0 : index
    tpu.barrier barrier_id(%barrier3A)
    %dma_start3A = arith.constant 0 : i32
    %dma_start3A_7 = tpu.memref_slice %arg7[%dma_start3A] : memref<10000xi32, #tpu.memory_space<vmem>> -> memref<80xi32, #tpu.memory_space<vmem>>
    %dma_start3A_8 = arith.constant 0 : i32
    %dma_start3A_9 = arith.constant 0 : i32
    %dma_start3A_10 = tpu.memref_slice %arg2[%dma_start3A_8, %dma_start3A_9] : memref<10000x128xf32, #tpu.memory_space<hbm>> -> memref<10000x128xf32, #tpu.memory_space<hbm>>
    tpu.enqueue_indirect_dma source(%dma_start3A_10 : memref<10000x128xf32, #tpu.memory_space<hbm>>) target(%arg9 : memref<80x128xf32, #tpu.memory_space<vmem>>) offsets(%dma_start3A_7 : memref<80xi32, #tpu.memory_space<vmem>>) semaphore(%arg12 : memref<!tpu.dma_semaphore, #tpu.memory_space<semaphore_mem>>)
    %scan3A = arith.constant 0 : i32
    %scan3A_11 = arith.constant 0 : i32
    %scan3A_12 = arith.constant 62 : i32
    %scan3A_13 = arith.addi %scan3A_11, %scan3A_12 : i32
    %scan3A_14 = arith.constant 1 : i32
    scf.for %scan3A_23 = %scan3A_11 to %scan3A_13 step %scan3A_14  : i32 {
      %mul3A_24 = arith.constant 2 : i32
      %mul3A_25 = arith.muli %mul3A_24, %scan3A_23 : i32
      %add3A_26 = arith.constant 1 : i32
      %add3A_27 = arith.addi %mul3A_25, %add3A_26 : i32
      %mul3A_28 = arith.constant 80 : i32
      %mul3A_29 = arith.muli %add3A_27, %mul3A_28 : i32
      %dma_start3A_30 = tpu.memref_slice %arg7[%mul3A_29] : memref<10000xi32, #tpu.memory_space<vmem>> -> memref<80xi32, #tpu.memory_space<vmem>>
      %dma_start3A_31 = arith.constant 0 : i32
      %dma_start3A_32 = arith.constant 0 : i32
      %dma_start3A_33 = tpu.memref_slice %arg2[%dma_start3A_31, %dma_start3A_32] : memref<10000x128xf32, #tpu.memory_space<hbm>> -> memref<10000x128xf32, #tpu.memory_space<hbm>>
      tpu.enqueue_indirect_dma source(%dma_start3A_33 : memref<10000x128xf32, #tpu.memory_space<hbm>>) target(%arg10 : memref<80x128xf32, #tpu.memory_space<vmem>>) offsets(%dma_start3A_30 : memref<80xi32, #tpu.memory_space<vmem>>) semaphore(%arg13 : memref<!tpu.dma_semaphore, #tpu.memory_space<semaphore_mem>>)
      %mul3A_34 = arith.constant 80 : i32
      %mul3A_35 = arith.muli %mul3A_25, %mul3A_34 : i32
      %dma_wait3A_36 = tpu.memref_slice %arg7[%mul3A_35] : memref<10000xi32, #tpu.memory_space<vmem>> -> memref<80xi32, #tpu.memory_space<vmem>>
      %dma_wait3A_37 = arith.constant 0 : i32
      %dma_wait3A_38 = arith.constant 0 : i32
      %dma_wait3A_39 = tpu.memref_slice %arg2[%dma_wait3A_37, %dma_wait3A_38] : memref<10000x128xf32, #tpu.memory_space<hbm>> -> memref<10000x128xf32, #tpu.memory_space<hbm>>
      tpu.wait_indirect_dma semaphore(%arg12 : memref<!tpu.dma_semaphore, #tpu.memory_space<semaphore_mem>>) src(%dma_wait3A_39 : memref<10000x128xf32, #tpu.memory_space<hbm>>) dst(%arg9 : memref<80x128xf32, #tpu.memory_space<vmem>>)
      %mul3A_40 = arith.constant 80 : i32
      %mul3A_41 = arith.muli %mul3A_25, %mul3A_40 : i32
      "tpu.region"() ({
        %run_scoped3A = tpu.sem_alloc : memref<!tpu.dma_semaphore, #tpu.memory_space<semaphore_mem>>
        %dma_start3A_54 = tpu.memref_slice %arg8[%mul3A_41] : memref<10000xi32, #tpu.memory_space<vmem>> -> memref<80xi32, #tpu.memory_space<vmem>>
        %dma_start3A_55 = arith.constant 0 : i32
        %dma_start3A_56 = arith.constant 0 : i32
        %dma_start3A_57 = tpu.memref_slice %arg11[%dma_start3A_55, %dma_start3A_56] : memref<10240x128xf32, #tpu.memory_space<vmem_shared>> -> memref<10240x128xf32, #tpu.memory_space<vmem_shared>>
        tpu.enqueue_indirect_dma source(%arg9 : memref<80x128xf32, #tpu.memory_space<vmem>>) target(%dma_start3A_57 : memref<10240x128xf32, #tpu.memory_space<vmem_shared>>) offsets(%dma_start3A_54 : memref<80xi32, #tpu.memory_space<vmem>>) semaphore(%run_scoped3A : memref<!tpu.dma_semaphore, #tpu.memory_space<semaphore_mem>>) {add = true}
        %dma_wait3A_58 = tpu.memref_slice %arg8[%mul3A_41] : memref<10000xi32, #tpu.memory_space<vmem>> -> memref<80xi32, #tpu.memory_space<vmem>>
        %dma_wait3A_59 = arith.constant 0 : i32
        %dma_wait3A_60 = arith.constant 0 : i32
        %dma_wait3A_61 = tpu.memref_slice %arg11[%dma_wait3A_59, %dma_wait3A_60] : memref<10240x128xf32, #tpu.memory_space<vmem_shared>> -> memref<10240x128xf32, #tpu.memory_space<vmem_shared>>
        tpu.wait_indirect_dma semaphore(%run_scoped3A : memref<!tpu.dma_semaphore, #tpu.memory_space<semaphore_mem>>) src(%arg9 : memref<80x128xf32, #tpu.memory_space<vmem>>) dst(%dma_wait3A_61 : memref<10240x128xf32, #tpu.memory_space<vmem_shared>>)
        tpu.yield
      }) : () -> ()
      %add3A_42 = arith.constant 2 : i32
      %add3A_43 = arith.addi %mul3A_25, %add3A_42 : i32
      %lt3A = arith.constant 125 : i32
      %lt3A_44 = arith.cmpi slt, %add3A_43, %lt3A : i32
      %convert_element_type3A = arith.extui %lt3A_44 : i1 to i32
      %cond3A = arith.constant 0 : i32
      %cond3A_45 = arith.cmpi ne, %convert_element_type3A, %cond3A : i32
      scf.if %cond3A_45 {
        %add3A_54 = arith.constant 2 : i32
        %add3A_55 = arith.addi %mul3A_25, %add3A_54 : i32
        %mul3A_56 = arith.constant 80 : i32
        %mul3A_57 = arith.muli %add3A_55, %mul3A_56 : i32
        %dma_start3A_58 = tpu.memref_slice %arg7[%mul3A_57] : memref<10000xi32, #tpu.memory_space<vmem>> -> memref<80xi32, #tpu.memory_space<vmem>>
        %dma_start3A_59 = arith.constant 0 : i32
        %dma_start3A_60 = arith.constant 0 : i32
        %dma_start3A_61 = tpu.memref_slice %arg2[%dma_start3A_59, %dma_start3A_60] : memref<10000x128xf32, #tpu.memory_space<hbm>> -> memref<10000x128xf32, #tpu.memory_space<hbm>>
        tpu.enqueue_indirect_dma source(%dma_start3A_61 : memref<10000x128xf32, #tpu.memory_space<hbm>>) target(%arg9 : memref<80x128xf32, #tpu.memory_space<vmem>>) offsets(%dma_start3A_58 : memref<80xi32, #tpu.memory_space<vmem>>) semaphore(%arg12 : memref<!tpu.dma_semaphore, #tpu.memory_space<semaphore_mem>>)
      } else {
      }
      %dma_wait3A_46 = tpu.memref_slice %arg7[%mul3A_29] : memref<10000xi32, #tpu.memory_space<vmem>> -> memref<80xi32, #tpu.memory_space<vmem>>
      %dma_wait3A_47 = arith.constant 0 : i32
      %dma_wait3A_48 = arith.constant 0 : i32
      %dma_wait3A_49 = tpu.memref_slice %arg2[%dma_wait3A_47, %dma_wait3A_48] : memref<10000x128xf32, #tpu.memory_space<hbm>> -> memref<10000x128xf32, #tpu.memory_space<hbm>>
      tpu.wait_indirect_dma semaphore(%arg13 : memref<!tpu.dma_semaphore, #tpu.memory_space<semaphore_mem>>) src(%dma_wait3A_49 : memref<10000x128xf32, #tpu.memory_space<hbm>>) dst(%arg10 : memref<80x128xf32, #tpu.memory_space<vmem>>)
      %add3A_50 = arith.constant 1 : i32
      %add3A_51 = arith.addi %mul3A_25, %add3A_50 : i32
      %mul3A_52 = arith.constant 80 : i32
      %mul3A_53 = arith.muli %add3A_51, %mul3A_52 : i32
      "tpu.region"() ({
        %run_scoped3A = tpu.sem_alloc : memref<!tpu.dma_semaphore, #tpu.memory_space<semaphore_mem>>
        %dma_start3A_54 = tpu.memref_slice %arg8[%mul3A_53] : memref<10000xi32, #tpu.memory_space<vmem>> -> memref<80xi32, #tpu.memory_space<vmem>>
        %dma_start3A_55 = arith.constant 0 : i32
        %dma_start3A_56 = arith.constant 0 : i32
        %dma_start3A_57 = tpu.memref_slice %arg11[%dma_start3A_55, %dma_start3A_56] : memref<10240x128xf32, #tpu.memory_space<vmem_shared>> -> memref<10240x128xf32, #tpu.memory_space<vmem_shared>>
        tpu.enqueue_indirect_dma source(%arg10 : memref<80x128xf32, #tpu.memory_space<vmem>>) target(%dma_start3A_57 : memref<10240x128xf32, #tpu.memory_space<vmem_shared>>) offsets(%dma_start3A_54 : memref<80xi32, #tpu.memory_space<vmem>>) semaphore(%run_scoped3A : memref<!tpu.dma_semaphore, #tpu.memory_space<semaphore_mem>>) {add = true}
        %dma_wait3A_58 = tpu.memref_slice %arg8[%mul3A_53] : memref<10000xi32, #tpu.memory_space<vmem>> -> memref<80xi32, #tpu.memory_space<vmem>>
        %dma_wait3A_59 = arith.constant 0 : i32
        %dma_wait3A_60 = arith.constant 0 : i32
        %dma_wait3A_61 = tpu.memref_slice %arg11[%dma_wait3A_59, %dma_wait3A_60] : memref<10240x128xf32, #tpu.memory_space<vmem_shared>> -> memref<10240x128xf32, #tpu.memory_space<vmem_shared>>
        tpu.wait_indirect_dma semaphore(%run_scoped3A : memref<!tpu.dma_semaphore, #tpu.memory_space<semaphore_mem>>) src(%arg10 : memref<80x128xf32, #tpu.memory_space<vmem>>) dst(%dma_wait3A_61 : memref<10240x128xf32, #tpu.memory_space<vmem_shared>>)
        tpu.yield
      }) : () -> ()
    }
    %scan3A_15 = arith.constant 62 : i32
    %dma_wait3A = arith.constant 9920 : i32
    %dma_wait3A_16 = tpu.memref_slice %arg7[%dma_wait3A] : memref<10000xi32, #tpu.memory_space<vmem>> -> memref<80xi32, #tpu.memory_space<vmem>>
    %dma_wait3A_17 = arith.constant 0 : i32
    %dma_wait3A_18 = arith.constant 0 : i32
    %dma_wait3A_19 = tpu.memref_slice %arg2[%dma_wait3A_17, %dma_wait3A_18] : memref<10000x128xf32, #tpu.memory_space<hbm>> -> memref<10000x128xf32, #tpu.memory_space<hbm>>
    tpu.wait_indirect_dma semaphore(%arg12 : memref<!tpu.dma_semaphore, #tpu.memory_space<semaphore_mem>>) src(%dma_wait3A_19 : memref<10000x128xf32, #tpu.memory_space<hbm>>) dst(%arg9 : memref<80x128xf32, #tpu.memory_space<vmem>>)
    "tpu.region"() ({
      %run_scoped3A = tpu.sem_alloc : memref<!tpu.dma_semaphore, #tpu.memory_space<semaphore_mem>>
      %dma_start3A_23 = arith.constant 9920 : i32
      %dma_start3A_24 = tpu.memref_slice %arg8[%dma_start3A_23] : memref<10000xi32, #tpu.memory_space<vmem>> -> memref<80xi32, #tpu.memory_space<vmem>>
      %dma_start3A_25 = arith.constant 0 : i32
      %dma_start3A_26 = arith.constant 0 : i32
      %dma_start3A_27 = tpu.memref_slice %arg11[%dma_start3A_25, %dma_start3A_26] : memref<10240x128xf32, #tpu.memory_space<vmem_shared>> -> memref<10240x128xf32, #tpu.memory_space<vmem_shared>>
      tpu.enqueue_indirect_dma source(%arg9 : memref<80x128xf32, #tpu.memory_space<vmem>>) target(%dma_start3A_27 : memref<10240x128xf32, #tpu.memory_space<vmem_shared>>) offsets(%dma_start3A_24 : memref<80xi32, #tpu.memory_space<vmem>>) semaphore(%run_scoped3A : memref<!tpu.dma_semaphore, #tpu.memory_space<semaphore_mem>>) {add = true}
      %dma_wait3A_28 = arith.constant 9920 : i32
      %dma_wait3A_29 = tpu.memref_slice %arg8[%dma_wait3A_28] : memref<10000xi32, #tpu.memory_space<vmem>> -> memref<80xi32, #tpu.memory_space<vmem>>
      %dma_wait3A_30 = arith.constant 0 : i32
      %dma_wait3A_31 = arith.constant 0 : i32
      %dma_wait3A_32 = tpu.memref_slice %arg11[%dma_wait3A_30, %dma_wait3A_31] : memref<10240x128xf32, #tpu.memory_space<vmem_shared>> -> memref<10240x128xf32, #tpu.memory_space<vmem_shared>>
      tpu.wait_indirect_dma semaphore(%run_scoped3A : memref<!tpu.dma_semaphore, #tpu.memory_space<semaphore_mem>>) src(%arg9 : memref<80x128xf32, #tpu.memory_space<vmem>>) dst(%dma_wait3A_32 : memref<10240x128xf32, #tpu.memory_space<vmem_shared>>)
      tpu.yield
    }) : () -> ()
    %barrier3A_20 = arith.constant 0 : index
    tpu.barrier barrier_id(%barrier3A_20)
    %mul3A_21 = arith.constant 640 : i32
    %mul3A_22 = arith.muli %arg1, %mul3A_21 : i32
    "tpu.region"() ({
      %run_scoped3A = tpu.sem_alloc : memref<!tpu.dma_semaphore, #tpu.memory_space<semaphore_mem>>
      %dma_start3A_23 = arith.constant 0 : i32
      %dma_start3A_24 = arith.constant 0 : i32
      %dma_start3A_25 = tpu.memref_slice %arg6[%arg0, %dma_start3A_23, %dma_start3A_24] : memref<2x10240x128xf32, #tpu.memory_space<hbm>> -> memref<1x10240x128xf32, #tpu.memory_space<hbm>>
      %dma_start3A_26 = tpu.memref_squeeze %dma_start3A_25 : memref<1x10240x128xf32, #tpu.memory_space<hbm>> -> memref<10240x128xf32, #tpu.memory_space<hbm>>
      %dma_start3A_27 = arith.constant 0 : i32
      %dma_start3A_28 = tpu.memref_slice %dma_start3A_26[%mul3A_22, %dma_start3A_27] : memref<10240x128xf32, #tpu.memory_space<hbm>> -> memref<640x128xf32, #tpu.memory_space<hbm>>
      %dma_start3A_29 = arith.constant 0 : i32
      %dma_start3A_30 = tpu.memref_slice %arg11[%mul3A_22, %dma_start3A_29] : memref<10240x128xf32, #tpu.memory_space<vmem_shared>> -> memref<640x128xf32, #tpu.memory_space<vmem_shared>>
      tpu.enqueue_dma source(%dma_start3A_30 : memref<640x128xf32, #tpu.memory_space<vmem_shared>>) target(%dma_start3A_28 : memref<640x128xf32, #tpu.memory_space<hbm>>) target_semaphore(%run_scoped3A : memref<!tpu.dma_semaphore, #tpu.memory_space<semaphore_mem>>)
      %dma_wait3A_31 = arith.constant 0 : i32
      %dma_wait3A_32 = arith.constant 0 : i32
      %dma_wait3A_33 = tpu.memref_slice %arg6[%arg0, %dma_wait3A_31, %dma_wait3A_32] : memref<2x10240x128xf32, #tpu.memory_space<hbm>> -> memref<1x10240x128xf32, #tpu.memory_space<hbm>>
      %dma_wait3A_34 = tpu.memref_squeeze %dma_wait3A_33 : memref<1x10240x128xf32, #tpu.memory_space<hbm>> -> memref<10240x128xf32, #tpu.memory_space<hbm>>
      %dma_wait3A_35 = arith.constant 0 : i32
      %dma_wait3A_36 = tpu.memref_slice %dma_wait3A_34[%mul3A_22, %dma_wait3A_35] : memref<10240x128xf32, #tpu.memory_space<hbm>> -> memref<640x128xf32, #tpu.memory_space<hbm>>
      %dma_wait3A_37 = arith.constant 0 : i32
      %dma_wait3A_38 = tpu.memref_slice %arg11[%mul3A_22, %dma_wait3A_37] : memref<10240x128xf32, #tpu.memory_space<vmem_shared>> -> memref<640x128xf32, #tpu.memory_space<vmem_shared>>
      tpu.wait_dma2 semaphore(%run_scoped3A : memref<!tpu.dma_semaphore, #tpu.memory_space<semaphore_mem>>) src(%dma_wait3A_38 : memref<640x128xf32, #tpu.memory_space<vmem_shared>>) dst(%dma_wait3A_36 : memref<640x128xf32, #tpu.memory_space<hbm>>)
      tpu.yield
    }) : () -> ()
    return
  }
}

#map = affine_map<(d0, d1) -> (0)>
module attributes {stable_mosaic.version = 14 : i64} {
  func.func @k(%arg0: i32, %arg1: i32, %arg2: memref<320000xi32, #tpu.memory_space<hbm>>, %arg3: memref<80xf32, #tpu.memory_space<hbm>>, %arg4: memref<640xf32, #tpu.memory_space<hbm>>, %arg5: memref<20480xf32, #tpu.memory_space<hbm>>, %arg6: memref<10000xi32, #tpu.memory_space<vmem>>, %arg7: memref<80xf32, #tpu.memory_space<vmem>>, %arg8: memref<10240xf32, #tpu.memory_space<vmem_shared>>, %arg9: memref<!tpu.dma_semaphore, #tpu.memory_space<semaphore_mem>>) attributes {dimension_semantics = [#tpu.dimension_semantics<core_parallel>, #tpu.dimension_semantics<subcore_parallel>], iteration_bounds = array<i64: 2, 16>, scalar_prefetch = 0 : i64, scratch_operands = 4 : i64, tpu.core_type = #tpu.core_type<sc_vector_subcore>, window_params = [{transform_indices = #map}, {transform_indices = #map}, {transform_indices = #map}, {transform_indices = #map}]} {
    %mul3A = arith.constant 16 : i32
    %mul3A_0 = arith.muli %arg0, %mul3A : i32
    %add3A = arith.addi %mul3A_0, %arg1 : i32
    %mul3A_1 = arith.constant 10000 : i32
    %mul3A_2 = arith.muli %add3A, %mul3A_1 : i32
    "tpu.region"() ({
      %run_scoped3A = tpu.sem_alloc : memref<!tpu.dma_semaphore, #tpu.memory_space<semaphore_mem>>
      %dma_start3A = tpu.memref_slice %arg2[%mul3A_2] : memref<320000xi32, #tpu.memory_space<hbm>> -> memref<10000xi32, #tpu.memory_space<hbm>>
      %dma_start3A_18 = tpu.memref_slice %arg2[%mul3A_2] : memref<320000xi32, #tpu.memory_space<hbm>> -> memref<10000xi32, #tpu.memory_space<hbm>>
      tpu.enqueue_dma source(%dma_start3A_18 : memref<10000xi32, #tpu.memory_space<hbm>>) target(%arg6 : memref<10000xi32, #tpu.memory_space<vmem>>) target_semaphore(%run_scoped3A : memref<!tpu.dma_semaphore, #tpu.memory_space<semaphore_mem>>)
      %dma_wait3A = tpu.memref_slice %arg2[%mul3A_2] : memref<320000xi32, #tpu.memory_space<hbm>> -> memref<10000xi32, #tpu.memory_space<hbm>>
      %dma_wait3A_19 = tpu.memref_slice %arg2[%mul3A_2] : memref<320000xi32, #tpu.memory_space<hbm>> -> memref<10000xi32, #tpu.memory_space<hbm>>
      tpu.wait_dma2 semaphore(%run_scoped3A : memref<!tpu.dma_semaphore, #tpu.memory_space<semaphore_mem>>) src(%dma_wait3A_19 : memref<10000xi32, #tpu.memory_space<hbm>>) dst(%arg6 : memref<10000xi32, #tpu.memory_space<vmem>>)
      tpu.yield
    }) : () -> ()
    "tpu.region"() ({
      %run_scoped3A = tpu.sem_alloc : memref<!tpu.dma_semaphore, #tpu.memory_space<semaphore_mem>>
      tpu.enqueue_dma source(%arg3 : memref<80xf32, #tpu.memory_space<hbm>>) target(%arg7 : memref<80xf32, #tpu.memory_space<vmem>>) target_semaphore(%run_scoped3A : memref<!tpu.dma_semaphore, #tpu.memory_space<semaphore_mem>>)
      tpu.wait_dma2 semaphore(%run_scoped3A : memref<!tpu.dma_semaphore, #tpu.memory_space<semaphore_mem>>) src(%arg3 : memref<80xf32, #tpu.memory_space<hbm>>) dst(%arg7 : memref<80xf32, #tpu.memory_space<vmem>>)
      tpu.yield
    }) : () -> ()
    %mul3A_3 = arith.constant 640 : i32
    %mul3A_4 = arith.muli %arg1, %mul3A_3 : i32
    "tpu.region"() ({
      %run_scoped3A = tpu.sem_alloc : memref<!tpu.dma_semaphore, #tpu.memory_space<semaphore_mem>>
      %dma_start3A = tpu.memref_slice %arg8[%mul3A_4] : memref<10240xf32, #tpu.memory_space<vmem_shared>> -> memref<640xf32, #tpu.memory_space<vmem_shared>>
      tpu.enqueue_dma source(%arg4 : memref<640xf32, #tpu.memory_space<hbm>>) target(%dma_start3A : memref<640xf32, #tpu.memory_space<vmem_shared>>) target_semaphore(%run_scoped3A : memref<!tpu.dma_semaphore, #tpu.memory_space<semaphore_mem>>)
      %dma_wait3A = tpu.memref_slice %arg8[%mul3A_4] : memref<10240xf32, #tpu.memory_space<vmem_shared>> -> memref<640xf32, #tpu.memory_space<vmem_shared>>
      tpu.wait_dma2 semaphore(%run_scoped3A : memref<!tpu.dma_semaphore, #tpu.memory_space<semaphore_mem>>) src(%arg4 : memref<640xf32, #tpu.memory_space<hbm>>) dst(%dma_wait3A : memref<640xf32, #tpu.memory_space<vmem_shared>>)
      tpu.yield
    }) : () -> ()
    %barrier3A = arith.constant 0 : index
    tpu.barrier barrier_id(%barrier3A)
    %scan3A = arith.constant 0 : i32
    %scan3A_5 = arith.constant 0 : i32
    %scan3A_6 = arith.constant 125 : i32
    %scan3A_7 = arith.addi %scan3A_5, %scan3A_6 : i32
    %scan3A_8 = arith.constant 1 : i32
    scf.for %scan3A_18 = %scan3A_5 to %scan3A_7 step %scan3A_8  : i32 {
      %mul3A_19 = arith.constant 80 : i32
      %mul3A_20 = arith.muli %scan3A_18, %mul3A_19 : i32
      "tpu.region"() ({
        %run_scoped3A = tpu.sem_alloc : memref<!tpu.dma_semaphore, #tpu.memory_space<semaphore_mem>>
        %dma_start3A = tpu.memref_slice %arg6[%mul3A_20] : memref<10000xi32, #tpu.memory_space<vmem>> -> memref<80xi32, #tpu.memory_space<vmem>>
        %dma_start3A_21 = arith.constant 0 : i32
        %dma_start3A_22 = tpu.memref_slice %arg8[%dma_start3A_21] : memref<10240xf32, #tpu.memory_space<vmem_shared>> -> memref<10240xf32, #tpu.memory_space<vmem_shared>>
        tpu.enqueue_indirect_dma source(%arg7 : memref<80xf32, #tpu.memory_space<vmem>>) target(%dma_start3A_22 : memref<10240xf32, #tpu.memory_space<vmem_shared>>) offsets(%dma_start3A : memref<80xi32, #tpu.memory_space<vmem>>) semaphore(%run_scoped3A : memref<!tpu.dma_semaphore, #tpu.memory_space<semaphore_mem>>) {add = true}
        %dma_wait3A = tpu.memref_slice %arg6[%mul3A_20] : memref<10000xi32, #tpu.memory_space<vmem>> -> memref<80xi32, #tpu.memory_space<vmem>>
        %dma_wait3A_23 = arith.constant 0 : i32
        %dma_wait3A_24 = tpu.memref_slice %arg8[%dma_wait3A_23] : memref<10240xf32, #tpu.memory_space<vmem_shared>> -> memref<10240xf32, #tpu.memory_space<vmem_shared>>
        tpu.wait_indirect_dma semaphore(%run_scoped3A : memref<!tpu.dma_semaphore, #tpu.memory_space<semaphore_mem>>) src(%arg7 : memref<80xf32, #tpu.memory_space<vmem>>) dst(%dma_wait3A_24 : memref<10240xf32, #tpu.memory_space<vmem_shared>>)
        tpu.yield
      }) : () -> ()
    }
    %scan3A_9 = arith.constant 125 : i32
    %barrier3A_10 = arith.constant 0 : index
    tpu.barrier barrier_id(%barrier3A_10)
    %mul3A_11 = arith.constant 640 : i32
    %mul3A_12 = arith.muli %arg1, %mul3A_11 : i32
    %mul3A_13 = arith.constant 10240 : i32
    %mul3A_14 = arith.muli %arg0, %mul3A_13 : i32
    %mul3A_15 = arith.constant 640 : i32
    %mul3A_16 = arith.muli %arg1, %mul3A_15 : i32
    %add3A_17 = arith.addi %mul3A_14, %mul3A_16 : i32
    "tpu.region"() ({
      %run_scoped3A = tpu.sem_alloc : memref<!tpu.dma_semaphore, #tpu.memory_space<semaphore_mem>>
      %dma_start3A = tpu.memref_slice %arg5[%add3A_17] : memref<20480xf32, #tpu.memory_space<hbm>> -> memref<640xf32, #tpu.memory_space<hbm>>
      %dma_start3A_18 = tpu.memref_slice %arg8[%mul3A_12] : memref<10240xf32, #tpu.memory_space<vmem_shared>> -> memref<640xf32, #tpu.memory_space<vmem_shared>>
      tpu.enqueue_dma source(%dma_start3A_18 : memref<640xf32, #tpu.memory_space<vmem_shared>>) target(%dma_start3A : memref<640xf32, #tpu.memory_space<hbm>>) target_semaphore(%run_scoped3A : memref<!tpu.dma_semaphore, #tpu.memory_space<semaphore_mem>>)
      %dma_wait3A = tpu.memref_slice %arg5[%add3A_17] : memref<20480xf32, #tpu.memory_space<hbm>> -> memref<640xf32, #tpu.memory_space<hbm>>
      %dma_wait3A_19 = tpu.memref_slice %arg8[%mul3A_12] : memref<10240xf32, #tpu.memory_space<vmem_shared>> -> memref<640xf32, #tpu.memory_space<vmem_shared>>
      tpu.wait_dma2 semaphore(%run_scoped3A : memref<!tpu.dma_semaphore, #tpu.memory_space<semaphore_mem>>) src(%dma_wait3A_19 : memref<640xf32, #tpu.memory_space<vmem_shared>>) dst(%dma_wait3A : memref<640xf32, #tpu.memory_space<hbm>>)
      tpu.yield
    }) : () -> ()
    return
  }
}

#map = affine_map<(d0, d1) -> (0, 0)>
#map1 = affine_map<(d0, d1) -> (0)>
#map2 = affine_map<(d0, d1) -> (0, 0, 0)>
module attributes {stable_mosaic.version = 14 : i64} {
  func.func @k(%arg0: i32, %arg1: i32, %arg2: memref<10000x128xf32, #tpu.memory_space<hbm>>, %arg3: memref<320000xi32, #tpu.memory_space<hbm>>, %arg4: memref<320000xi32, #tpu.memory_space<hbm>>, %arg5: memref<640x128xf32, #tpu.memory_space<hbm>>, %arg6: memref<2x10240x128xf32, #tpu.memory_space<hbm>>, %arg7: memref<10000xi32, #tpu.memory_space<vmem>>, %arg8: memref<10000xi32, #tpu.memory_space<vmem>>, %arg9: memref<80x128xf32, #tpu.memory_space<vmem>>, %arg10: memref<80x128xf32, #tpu.memory_space<vmem>>, %arg11: memref<10240x128xf32, #tpu.memory_space<vmem_shared>>, %arg12: memref<!tpu.dma_semaphore, #tpu.memory_space<semaphore_mem>>, %arg13: memref<!tpu.dma_semaphore, #tpu.memory_space<semaphore_mem>>) attributes {dimension_semantics = [#tpu.dimension_semantics<core_parallel>, #tpu.dimension_semantics<subcore_parallel>], iteration_bounds = array<i64: 2, 16>, scalar_prefetch = 0 : i64, scratch_operands = 7 : i64, tpu.core_type = #tpu.core_type<sc_vector_subcore>, window_params = [{transform_indices = #map}, {transform_indices = #map1}, {transform_indices = #map1}, {transform_indices = #map}, {transform_indices = #map2}]} {
    %mul3A = arith.constant 16 : i32
    %mul3A_0 = arith.muli %arg0, %mul3A : i32
    %add3A = arith.addi %mul3A_0, %arg1 : i32
    %mul3A_1 = arith.constant 10000 : i32
    %mul3A_2 = arith.muli %add3A, %mul3A_1 : i32
    "tpu.region"() ({
      %run_scoped3A = tpu.sem_alloc : memref<!tpu.dma_semaphore, #tpu.memory_space<semaphore_mem>>
      %dma_start3A_23 = tpu.memref_slice %arg3[%mul3A_2] : memref<320000xi32, #tpu.memory_space<hbm>> -> memref<10000xi32, #tpu.memory_space<hbm>>
      %dma_start3A_24 = tpu.memref_slice %arg3[%mul3A_2] : memref<320000xi32, #tpu.memory_space<hbm>> -> memref<10000xi32, #tpu.memory_space<hbm>>
      tpu.enqueue_dma source(%dma_start3A_24 : memref<10000xi32, #tpu.memory_space<hbm>>) target(%arg7 : memref<10000xi32, #tpu.memory_space<vmem>>) target_semaphore(%run_scoped3A : memref<!tpu.dma_semaphore, #tpu.memory_space<semaphore_mem>>)
      %dma_wait3A_25 = tpu.memref_slice %arg3[%mul3A_2] : memref<320000xi32, #tpu.memory_space<hbm>> -> memref<10000xi32, #tpu.memory_space<hbm>>
      %dma_wait3A_26 = tpu.memref_slice %arg3[%mul3A_2] : memref<320000xi32, #tpu.memory_space<hbm>> -> memref<10000xi32, #tpu.memory_space<hbm>>
      tpu.wait_dma2 semaphore(%run_scoped3A : memref<!tpu.dma_semaphore, #tpu.memory_space<semaphore_mem>>) src(%dma_wait3A_26 : memref<10000xi32, #tpu.memory_space<hbm>>) dst(%arg7 : memref<10000xi32, #tpu.memory_space<vmem>>)
      tpu.yield
    }) : () -> ()
    %mul3A_3 = arith.constant 10000 : i32
    %mul3A_4 = arith.muli %add3A, %mul3A_3 : i32
    "tpu.region"() ({
      %run_scoped3A = tpu.sem_alloc : memref<!tpu.dma_semaphore, #tpu.memory_space<semaphore_mem>>
      %dma_start3A_23 = tpu.memref_slice %arg4[%mul3A_4] : memref<320000xi32, #tpu.memory_space<hbm>> -> memref<10000xi32, #tpu.memory_space<hbm>>
      %dma_start3A_24 = tpu.memref_slice %arg4[%mul3A_4] : memref<320000xi32, #tpu.memory_space<hbm>> -> memref<10000xi32, #tpu.memory_space<hbm>>
      tpu.enqueue_dma source(%dma_start3A_24 : memref<10000xi32, #tpu.memory_space<hbm>>) target(%arg8 : memref<10000xi32, #tpu.memory_space<vmem>>) target_semaphore(%run_scoped3A : memref<!tpu.dma_semaphore, #tpu.memory_space<semaphore_mem>>)
      %dma_wait3A_25 = tpu.memref_slice %arg4[%mul3A_4] : memref<320000xi32, #tpu.memory_space<hbm>> -> memref<10000xi32, #tpu.memory_space<hbm>>
      %dma_wait3A_26 = tpu.memref_slice %arg4[%mul3A_4] : memref<320000xi32, #tpu.memory_space<hbm>> -> memref<10000xi32, #tpu.memory_space<hbm>>
      tpu.wait_dma2 semaphore(%run_scoped3A : memref<!tpu.dma_semaphore, #tpu.memory_space<semaphore_mem>>) src(%dma_wait3A_26 : memref<10000xi32, #tpu.memory_space<hbm>>) dst(%arg8 : memref<10000xi32, #tpu.memory_space<vmem>>)
      tpu.yield
    }) : () -> ()
    %mul3A_5 = arith.constant 640 : i32
    %mul3A_6 = arith.muli %arg1, %mul3A_5 : i32
    "tpu.region"() ({
      %run_scoped3A = tpu.sem_alloc : memref<!tpu.dma_semaphore, #tpu.memory_space<semaphore_mem>>
      %dma_start3A_23 = arith.constant 0 : i32
      %dma_start3A_24 = tpu.memref_slice %arg11[%mul3A_6, %dma_start3A_23] : memref<10240x128xf32, #tpu.memory_space<vmem_shared>> -> memref<640x128xf32, #tpu.memory_space<vmem_shared>>
      tpu.enqueue_dma source(%arg5 : memref<640x128xf32, #tpu.memory_space<hbm>>) target(%dma_start3A_24 : memref<640x128xf32, #tpu.memory_space<vmem_shared>>) target_semaphore(%run_scoped3A : memref<!tpu.dma_semaphore, #tpu.memory_space<semaphore_mem>>)
      %dma_wait3A_25 = arith.constant 0 : i32
      %dma_wait3A_26 = tpu.memref_slice %arg11[%mul3A_6, %dma_wait3A_25] : memref<10240x128xf32, #tpu.memory_space<vmem_shared>> -> memref<640x128xf32, #tpu.memory_space<vmem_shared>>
      tpu.wait_dma2 semaphore(%run_scoped3A : memref<!tpu.dma_semaphore, #tpu.memory_space<semaphore_mem>>) src(%arg5 : memref<640x128xf32, #tpu.memory_space<hbm>>) dst(%dma_wait3A_26 : memref<640x128xf32, #tpu.memory_space<vmem_shared>>)
      tpu.yield
    }) : () -> ()
    %barrier3A = arith.constant 0 : index
    tpu.barrier barrier_id(%barrier3A)
    %dma_start3A = arith.constant 0 : i32
    %dma_start3A_7 = tpu.memref_slice %arg7[%dma_start3A] : memref<10000xi32, #tpu.memory_space<vmem>> -> memref<80xi32, #tpu.memory_space<vmem>>
    %dma_start3A_8 = arith.constant 0 : i32
    %dma_start3A_9 = arith.constant 0 : i32
    %dma_start3A_10 = tpu.memref_slice %arg2[%dma_start3A_8, %dma_start3A_9] : memref<10000x128xf32, #tpu.memory_space<hbm>> -> memref<10000x128xf32, #tpu.memory_space<hbm>>
    tpu.enqueue_indirect_dma source(%dma_start3A_10 : memref<10000x128xf32, #tpu.memory_space<hbm>>) target(%arg9 : memref<80x128xf32, #tpu.memory_space<vmem>>) offsets(%dma_start3A_7 : memref<80xi32, #tpu.memory_space<vmem>>) semaphore(%arg12 : memref<!tpu.dma_semaphore, #tpu.memory_space<semaphore_mem>>)
    %scan3A = arith.constant 0 : i32
    %scan3A_11 = arith.constant 0 : i32
    %scan3A_12 = arith.constant 62 : i32
    %scan3A_13 = arith.addi %scan3A_11, %scan3A_12 : i32
    %scan3A_14 = arith.constant 1 : i32
    scf.for %scan3A_23 = %scan3A_11 to %scan3A_13 step %scan3A_14  : i32 {
      %mul3A_24 = arith.constant 2 : i32
      %mul3A_25 = arith.muli %mul3A_24, %scan3A_23 : i32
      %add3A_26 = arith.constant 1 : i32
      %add3A_27 = arith.addi %mul3A_25, %add3A_26 : i32
      %mul3A_28 = arith.constant 80 : i32
      %mul3A_29 = arith.muli %add3A_27, %mul3A_28 : i32
      %dma_start3A_30 = tpu.memref_slice %arg7[%mul3A_29] : memref<10000xi32, #tpu.memory_space<vmem>> -> memref<80xi32, #tpu.memory_space<vmem>>
      %dma_start3A_31 = arith.constant 0 : i32
      %dma_start3A_32 = arith.constant 0 : i32
      %dma_start3A_33 = tpu.memref_slice %arg2[%dma_start3A_31, %dma_start3A_32] : memref<10000x128xf32, #tpu.memory_space<hbm>> -> memref<10000x128xf32, #tpu.memory_space<hbm>>
      tpu.enqueue_indirect_dma source(%dma_start3A_33 : memref<10000x128xf32, #tpu.memory_space<hbm>>) target(%arg10 : memref<80x128xf32, #tpu.memory_space<vmem>>) offsets(%dma_start3A_30 : memref<80xi32, #tpu.memory_space<vmem>>) semaphore(%arg13 : memref<!tpu.dma_semaphore, #tpu.memory_space<semaphore_mem>>)
      %mul3A_34 = arith.constant 80 : i32
      %mul3A_35 = arith.muli %mul3A_25, %mul3A_34 : i32
      %dma_wait3A_36 = tpu.memref_slice %arg7[%mul3A_35] : memref<10000xi32, #tpu.memory_space<vmem>> -> memref<80xi32, #tpu.memory_space<vmem>>
      %dma_wait3A_37 = arith.constant 0 : i32
      %dma_wait3A_38 = arith.constant 0 : i32
      %dma_wait3A_39 = tpu.memref_slice %arg2[%dma_wait3A_37, %dma_wait3A_38] : memref<10000x128xf32, #tpu.memory_space<hbm>> -> memref<10000x128xf32, #tpu.memory_space<hbm>>
      tpu.wait_indirect_dma semaphore(%arg12 : memref<!tpu.dma_semaphore, #tpu.memory_space<semaphore_mem>>) src(%dma_wait3A_39 : memref<10000x128xf32, #tpu.memory_space<hbm>>) dst(%arg9 : memref<80x128xf32, #tpu.memory_space<vmem>>)
      %mul3A_40 = arith.constant 80 : i32
      %mul3A_41 = arith.muli %mul3A_25, %mul3A_40 : i32
      "tpu.region"() ({
        %run_scoped3A = tpu.sem_alloc : memref<!tpu.dma_semaphore, #tpu.memory_space<semaphore_mem>>
        %dma_start3A_54 = tpu.memref_slice %arg8[%mul3A_41] : memref<10000xi32, #tpu.memory_space<vmem>> -> memref<80xi32, #tpu.memory_space<vmem>>
        %dma_start3A_55 = arith.constant 0 : i32
        %dma_start3A_56 = arith.constant 0 : i32
        %dma_start3A_57 = tpu.memref_slice %arg11[%dma_start3A_55, %dma_start3A_56] : memref<10240x128xf32, #tpu.memory_space<vmem_shared>> -> memref<10240x128xf32, #tpu.memory_space<vmem_shared>>
        tpu.enqueue_indirect_dma source(%arg9 : memref<80x128xf32, #tpu.memory_space<vmem>>) target(%dma_start3A_57 : memref<10240x128xf32, #tpu.memory_space<vmem_shared>>) offsets(%dma_start3A_54 : memref<80xi32, #tpu.memory_space<vmem>>) semaphore(%run_scoped3A : memref<!tpu.dma_semaphore, #tpu.memory_space<semaphore_mem>>) {add = true}
        %dma_wait3A_58 = tpu.memref_slice %arg8[%mul3A_41] : memref<10000xi32, #tpu.memory_space<vmem>> -> memref<80xi32, #tpu.memory_space<vmem>>
        %dma_wait3A_59 = arith.constant 0 : i32
        %dma_wait3A_60 = arith.constant 0 : i32
        %dma_wait3A_61 = tpu.memref_slice %arg11[%dma_wait3A_59, %dma_wait3A_60] : memref<10240x128xf32, #tpu.memory_space<vmem_shared>> -> memref<10240x128xf32, #tpu.memory_space<vmem_shared>>
        tpu.wait_indirect_dma semaphore(%run_scoped3A : memref<!tpu.dma_semaphore, #tpu.memory_space<semaphore_mem>>) src(%arg9 : memref<80x128xf32, #tpu.memory_space<vmem>>) dst(%dma_wait3A_61 : memref<10240x128xf32, #tpu.memory_space<vmem_shared>>)
        tpu.yield
      }) : () -> ()
      %add3A_42 = arith.constant 2 : i32
      %add3A_43 = arith.addi %mul3A_25, %add3A_42 : i32
      %lt3A = arith.constant 125 : i32
      %lt3A_44 = arith.cmpi slt, %add3A_43, %lt3A : i32
      %convert_element_type3A = arith.extui %lt3A_44 : i1 to i32
      %cond3A = arith.constant 0 : i32
      %cond3A_45 = arith.cmpi ne, %convert_element_type3A, %cond3A : i32
      scf.if %cond3A_45 {
        %add3A_54 = arith.constant 2 : i32
        %add3A_55 = arith.addi %mul3A_25, %add3A_54 : i32
        %mul3A_56 = arith.constant 80 : i32
        %mul3A_57 = arith.muli %add3A_55, %mul3A_56 : i32
        %dma_start3A_58 = tpu.memref_slice %arg7[%mul3A_57] : memref<10000xi32, #tpu.memory_space<vmem>> -> memref<80xi32, #tpu.memory_space<vmem>>
        %dma_start3A_59 = arith.constant 0 : i32
        %dma_start3A_60 = arith.constant 0 : i32
        %dma_start3A_61 = tpu.memref_slice %arg2[%dma_start3A_59, %dma_start3A_60] : memref<10000x128xf32, #tpu.memory_space<hbm>> -> memref<10000x128xf32, #tpu.memory_space<hbm>>
        tpu.enqueue_indirect_dma source(%dma_start3A_61 : memref<10000x128xf32, #tpu.memory_space<hbm>>) target(%arg9 : memref<80x128xf32, #tpu.memory_space<vmem>>) offsets(%dma_start3A_58 : memref<80xi32, #tpu.memory_space<vmem>>) semaphore(%arg12 : memref<!tpu.dma_semaphore, #tpu.memory_space<semaphore_mem>>)
      } else {
      }
      %dma_wait3A_46 = tpu.memref_slice %arg7[%mul3A_29] : memref<10000xi32, #tpu.memory_space<vmem>> -> memref<80xi32, #tpu.memory_space<vmem>>
      %dma_wait3A_47 = arith.constant 0 : i32
      %dma_wait3A_48 = arith.constant 0 : i32
      %dma_wait3A_49 = tpu.memref_slice %arg2[%dma_wait3A_47, %dma_wait3A_48] : memref<10000x128xf32, #tpu.memory_space<hbm>> -> memref<10000x128xf32, #tpu.memory_space<hbm>>
      tpu.wait_indirect_dma semaphore(%arg13 : memref<!tpu.dma_semaphore, #tpu.memory_space<semaphore_mem>>) src(%dma_wait3A_49 : memref<10000x128xf32, #tpu.memory_space<hbm>>) dst(%arg10 : memref<80x128xf32, #tpu.memory_space<vmem>>)
      %add3A_50 = arith.constant 1 : i32
      %add3A_51 = arith.addi %mul3A_25, %add3A_50 : i32
      %mul3A_52 = arith.constant 80 : i32
      %mul3A_53 = arith.muli %add3A_51, %mul3A_52 : i32
      "tpu.region"() ({
        %run_scoped3A = tpu.sem_alloc : memref<!tpu.dma_semaphore, #tpu.memory_space<semaphore_mem>>
        %dma_start3A_54 = tpu.memref_slice %arg8[%mul3A_53] : memref<10000xi32, #tpu.memory_space<vmem>> -> memref<80xi32, #tpu.memory_space<vmem>>
        %dma_start3A_55 = arith.constant 0 : i32
        %dma_start3A_56 = arith.constant 0 : i32
        %dma_start3A_57 = tpu.memref_slice %arg11[%dma_start3A_55, %dma_start3A_56] : memref<10240x128xf32, #tpu.memory_space<vmem_shared>> -> memref<10240x128xf32, #tpu.memory_space<vmem_shared>>
        tpu.enqueue_indirect_dma source(%arg10 : memref<80x128xf32, #tpu.memory_space<vmem>>) target(%dma_start3A_57 : memref<10240x128xf32, #tpu.memory_space<vmem_shared>>) offsets(%dma_start3A_54 : memref<80xi32, #tpu.memory_space<vmem>>) semaphore(%run_scoped3A : memref<!tpu.dma_semaphore, #tpu.memory_space<semaphore_mem>>) {add = true}
        %dma_wait3A_58 = tpu.memref_slice %arg8[%mul3A_53] : memref<10000xi32, #tpu.memory_space<vmem>> -> memref<80xi32, #tpu.memory_space<vmem>>
        %dma_wait3A_59 = arith.constant 0 : i32
        %dma_wait3A_60 = arith.constant 0 : i32
        %dma_wait3A_61 = tpu.memref_slice %arg11[%dma_wait3A_59, %dma_wait3A_60] : memref<10240x128xf32, #tpu.memory_space<vmem_shared>> -> memref<10240x128xf32, #tpu.memory_space<vmem_shared>>
        tpu.wait_indirect_dma semaphore(%run_scoped3A : memref<!tpu.dma_semaphore, #tpu.memory_space<semaphore_mem>>) src(%arg10 : memref<80x128xf32, #tpu.memory_space<vmem>>) dst(%dma_wait3A_61 : memref<10240x128xf32, #tpu.memory_space<vmem_shared>>)
        tpu.yield
      }) : () -> ()
    }
    %scan3A_15 = arith.constant 62 : i32
    %dma_wait3A = arith.constant 9920 : i32
    %dma_wait3A_16 = tpu.memref_slice %arg7[%dma_wait3A] : memref<10000xi32, #tpu.memory_space<vmem>> -> memref<80xi32, #tpu.memory_space<vmem>>
    %dma_wait3A_17 = arith.constant 0 : i32
    %dma_wait3A_18 = arith.constant 0 : i32
    %dma_wait3A_19 = tpu.memref_slice %arg2[%dma_wait3A_17, %dma_wait3A_18] : memref<10000x128xf32, #tpu.memory_space<hbm>> -> memref<10000x128xf32, #tpu.memory_space<hbm>>
    tpu.wait_indirect_dma semaphore(%arg12 : memref<!tpu.dma_semaphore, #tpu.memory_space<semaphore_mem>>) src(%dma_wait3A_19 : memref<10000x128xf32, #tpu.memory_space<hbm>>) dst(%arg9 : memref<80x128xf32, #tpu.memory_space<vmem>>)
    "tpu.region"() ({
      %run_scoped3A = tpu.sem_alloc : memref<!tpu.dma_semaphore, #tpu.memory_space<semaphore_mem>>
      %dma_start3A_23 = arith.constant 9920 : i32
      %dma_start3A_24 = tpu.memref_slice %arg8[%dma_start3A_23] : memref<10000xi32, #tpu.memory_space<vmem>> -> memref<80xi32, #tpu.memory_space<vmem>>
      %dma_start3A_25 = arith.constant 0 : i32
      %dma_start3A_26 = arith.constant 0 : i32
      %dma_start3A_27 = tpu.memref_slice %arg11[%dma_start3A_25, %dma_start3A_26] : memref<10240x128xf32, #tpu.memory_space<vmem_shared>> -> memref<10240x128xf32, #tpu.memory_space<vmem_shared>>
      tpu.enqueue_indirect_dma source(%arg9 : memref<80x128xf32, #tpu.memory_space<vmem>>) target(%dma_start3A_27 : memref<10240x128xf32, #tpu.memory_space<vmem_shared>>) offsets(%dma_start3A_24 : memref<80xi32, #tpu.memory_space<vmem>>) semaphore(%run_scoped3A : memref<!tpu.dma_semaphore, #tpu.memory_space<semaphore_mem>>) {add = true}
      %dma_wait3A_28 = arith.constant 9920 : i32
      %dma_wait3A_29 = tpu.memref_slice %arg8[%dma_wait3A_28] : memref<10000xi32, #tpu.memory_space<vmem>> -> memref<80xi32, #tpu.memory_space<vmem>>
      %dma_wait3A_30 = arith.constant 0 : i32
      %dma_wait3A_31 = arith.constant 0 : i32
      %dma_wait3A_32 = tpu.memref_slice %arg11[%dma_wait3A_30, %dma_wait3A_31] : memref<10240x128xf32, #tpu.memory_space<vmem_shared>> -> memref<10240x128xf32, #tpu.memory_space<vmem_shared>>
      tpu.wait_indirect_dma semaphore(%run_scoped3A : memref<!tpu.dma_semaphore, #tpu.memory_space<semaphore_mem>>) src(%arg9 : memref<80x128xf32, #tpu.memory_space<vmem>>) dst(%dma_wait3A_32 : memref<10240x128xf32, #tpu.memory_space<vmem_shared>>)
      tpu.yield
    }) : () -> ()
    %barrier3A_20 = arith.constant 0 : index
    tpu.barrier barrier_id(%barrier3A_20)
    %mul3A_21 = arith.constant 640 : i32
    %mul3A_22 = arith.muli %arg1, %mul3A_21 : i32
    "tpu.region"() ({
      %run_scoped3A = tpu.sem_alloc : memref<!tpu.dma_semaphore, #tpu.memory_space<semaphore_mem>>
      %dma_start3A_23 = arith.constant 0 : i32
      %dma_start3A_24 = arith.constant 0 : i32
      %dma_start3A_25 = tpu.memref_slice %arg6[%arg0, %dma_start3A_23, %dma_start3A_24] : memref<2x10240x128xf32, #tpu.memory_space<hbm>> -> memref<1x10240x128xf32, #tpu.memory_space<hbm>>
      %dma_start3A_26 = tpu.memref_squeeze %dma_start3A_25 : memref<1x10240x128xf32, #tpu.memory_space<hbm>> -> memref<10240x128xf32, #tpu.memory_space<hbm>>
      %dma_start3A_27 = arith.constant 0 : i32
      %dma_start3A_28 = tpu.memref_slice %dma_start3A_26[%mul3A_22, %dma_start3A_27] : memref<10240x128xf32, #tpu.memory_space<hbm>> -> memref<640x128xf32, #tpu.memory_space<hbm>>
      %dma_start3A_29 = arith.constant 0 : i32
      %dma_start3A_30 = tpu.memref_slice %arg11[%mul3A_22, %dma_start3A_29] : memref<10240x128xf32, #tpu.memory_space<vmem_shared>> -> memref<640x128xf32, #tpu.memory_space<vmem_shared>>
      tpu.enqueue_dma source(%dma_start3A_30 : memref<640x128xf32, #tpu.memory_space<vmem_shared>>) target(%dma_start3A_28 : memref<640x128xf32, #tpu.memory_space<hbm>>) target_semaphore(%run_scoped3A : memref<!tpu.dma_semaphore, #tpu.memory_space<semaphore_mem>>)
      %dma_wait3A_31 = arith.constant 0 : i32
      %dma_wait3A_32 = arith.constant 0 : i32
      %dma_wait3A_33 = tpu.memref_slice %arg6[%arg0, %dma_wait3A_31, %dma_wait3A_32] : memref<2x10240x128xf32, #tpu.memory_space<hbm>> -> memref<1x10240x128xf32, #tpu.memory_space<hbm>>
      %dma_wait3A_34 = tpu.memref_squeeze %dma_wait3A_33 : memref<1x10240x128xf32, #tpu.memory_space<hbm>> -> memref<10240x128xf32, #tpu.memory_space<hbm>>
      %dma_wait3A_35 = arith.constant 0 : i32
      %dma_wait3A_36 = tpu.memref_slice %dma_wait3A_34[%mul3A_22, %dma_wait3A_35] : memref<10240x128xf32, #tpu.memory_space<hbm>> -> memref<640x128xf32, #tpu.memory_space<hbm>>
      %dma_wait3A_37 = arith.constant 0 : i32
      %dma_wait3A_38 = tpu.memref_slice %arg11[%mul3A_22, %dma_wait3A_37] : memref<10240x128xf32, #tpu.memory_space<vmem_shared>> -> memref<640x128xf32, #tpu.memory_space<vmem_shared>>
      tpu.wait_dma2 semaphore(%run_scoped3A : memref<!tpu.dma_semaphore, #tpu.memory_space<semaphore_mem>>) src(%dma_wait3A_38 : memref<640x128xf32, #tpu.memory_space<vmem_shared>>) dst(%dma_wait3A_36 : memref<640x128xf32, #tpu.memory_space<hbm>>)
      tpu.yield
    }) : () -> ()
    return
  }
}

module attributes {stable_mosaic.version = 14 : i64} {
  func.func @body(%arg0: i32, %arg1: memref<1000x128xf32, #tpu.memory_space<vmem>>, %arg2: memref<128x128xf32, #tpu.memory_space<vmem>>, %arg3: memref<1000x1xf32, #tpu.memory_space<vmem>>, %arg4: memref<1000x1xf32, #tpu.memory_space<vmem>>, %arg5: memref<1000x128xf32, #tpu.memory_space<vmem>>, %arg6: memref<1000x1xf32, #tpu.memory_space<vmem>>) attributes {dimension_semantics = [#tpu.dimension_semantics<arbitrary>], iteration_bounds = array<i64: 10>, scalar_prefetch = 0 : i64, scratch_operands = 0 : i64, tpu.core_type = #tpu.core_type<tc>, window_params = [{transform_indices = @transform_0, window_bounds = array<i64: 1000, 128>}, {pipeline_mode = #tpu.pipeline_mode<synchronous>, transform_indices = @transform_1, window_bounds = array<i64: 128, 128>}, {transform_indices = @transform_2, window_bounds = array<i64: 1000, 1>}, {transform_indices = @transform_3, window_bounds = array<i64: 1000, 1>}, {transform_indices = @transform_4, window_bounds = array<i64: 1000, 128>}, {transform_indices = @transform_5, window_bounds = array<i64: 1000, 1>}]} {
    %get3A = arith.constant 0 : index
    %get3A_0 = arith.constant 0 : index
    %get3A_1 = vector.load %arg3[%get3A, %get3A_0] : memref<1000x1xf32, #tpu.memory_space<vmem>>, vector<1000x1xf32>
    %add3A = arith.constant 1.000000e+00 : f32
    %add3A_2 = vector.broadcast %add3A : f32 to vector<1000x1xf32>
    %add3A_3 = arith.addf %add3A_2, %get3A_1 : vector<1000x1xf32>
    %get3A_4 = arith.constant 0 : index
    %get3A_5 = arith.constant 0 : index
    %get3A_6 = vector.load %arg4[%get3A_4, %get3A_5] : memref<1000x1xf32, #tpu.memory_space<vmem>>, vector<1000x1xf32>
    %add3A_7 = arith.addf %add3A_3, %get3A_6 : vector<1000x1xf32>
    %rsqrt3A = math.rsqrt %add3A_7 : vector<1000x1xf32>
    %get3A_8 = arith.constant 0 : index
    %get3A_9 = arith.constant 0 : index
    %get3A_10 = vector.load %arg1[%get3A_8, %get3A_9] : memref<1000x128xf32, #tpu.memory_space<vmem>>, vector<1000x128xf32>
    %get3A_11 = arith.constant 0 : index
    %get3A_12 = arith.constant 0 : index
    %get3A_13 = vector.load %arg2[%get3A_11, %get3A_12] : memref<128x128xf32, #tpu.memory_space<vmem>>, vector<128x128xf32>
    %dot_general3A = arith.constant dense<0.000000e+00> : vector<1000x128xf32>
    %dot_general3A_14 = tpu.matmul %get3A_10, %get3A_13, %dot_general3A {dimension_numbers = #tpu.dot_dimension_numbers<[1], [0], [0], [1], [0, 0, 1, 1], [], []>, precision = #tpu.contract_precision<fp32>, transpose_lhs_hint = false} : vector<1000x128xf32>, vector<128x128xf32>, vector<1000x128xf32> -> vector<1000x128xf32>
    %mul3A = vector.broadcast %rsqrt3A : vector<1000x1xf32> to vector<1000x128xf32>
    %mul3A_15 = arith.mulf %dot_general3A_14, %mul3A : vector<1000x128xf32>
    %swap3A = arith.constant 0 : index
    %swap3A_16 = arith.constant 0 : index
    %swap3A_17 = vector.load %arg5[%swap3A, %swap3A_16] : memref<1000x128xf32, #tpu.memory_space<vmem>>, vector<1000x128xf32>
    tpu.vector_store %arg5[%swap3A, %swap3A_16], %mul3A_15 {strides = array<i32>} : memref<1000x128xf32, #tpu.memory_space<vmem>>, vector<1000x128xf32>,
    %swap3A_18 = arith.constant 0 : index
    %swap3A_19 = arith.constant 0 : index
    %swap3A_20 = vector.load %arg6[%swap3A_18, %swap3A_19] : memref<1000x1xf32, #tpu.memory_space<vmem>>, vector<1000x1xf32>
    tpu.vector_store %arg6[%swap3A_18, %swap3A_19], %rsqrt3A {strides = array<i32>} : memref<1000x1xf32, #tpu.memory_space<vmem>>, vector<1000x1xf32>,
    return
  }
  func.func @transform_0(%arg0: i32) -> (i32, i32) {
    %c0_i32 = arith.constant 0 : i32
    %c0_i32_0 = arith.constant 0 : i32
    return %arg0, %c0_i32 : i32, i32
  }
  func.func @transform_1(%arg0: i32) -> (i32, i32) {
    %c0_i32 = arith.constant 0 : i32
    %c0_i32_0 = arith.constant 0 : i32
    %c0_i32_1 = arith.constant 0 : i32
    return %c0_i32, %c0_i32_0 : i32, i32
  }
  func.func @transform_2(%arg0: i32) -> (i32, i32) {
    %c0_i32 = arith.constant 0 : i32
    %c0_i32_0 = arith.constant 0 : i32
    return %arg0, %c0_i32 : i32, i32
  }
  func.func @transform_3(%arg0: i32) -> (i32, i32) {
    %c0_i32 = arith.constant 0 : i32
    %c0_i32_0 = arith.constant 0 : i32
    return %arg0, %c0_i32 : i32, i32
  }
  func.func @transform_4(%arg0: i32) -> (i32, i32) {
    %c0_i32 = arith.constant 0 : i32
    %c0_i32_0 = arith.constant 0 : i32
    return %arg0, %c0_i32 : i32, i32
  }
  func.func @transform_5(%arg0: i32) -> (i32, i32) {
    %c0_i32 = arith.constant 0 : i32
    %c0_i32_0 = arith.constant 0 : i32
    return %arg0, %c0_i32 : i32, i32
  }
}

module attributes {stable_mosaic.version = 14 : i64} {
  func.func @body(%arg0: i32, %arg1: memref<1x1000x128xf32, #tpu.memory_space<vmem>>, %arg2: memref<1x1000x128xf32, #tpu.memory_space<vmem>>, %arg3: memref<1000x128xf32, #tpu.memory_space<vmem>>, %arg4: memref<1000x1xf32, #tpu.memory_space<vmem>>, %arg5: memref<1x128xf32, #tpu.memory_space<vmem>>, %arg6: memref<128x64xf32, #tpu.memory_space<vmem>>, %arg7: memref<1000x128xf32, #tpu.memory_space<vmem>>) attributes {dimension_semantics = [#tpu.dimension_semantics<arbitrary>], iteration_bounds = array<i64: 10>, scalar_prefetch = 0 : i64, scratch_operands = 0 : i64, tpu.core_type = #tpu.core_type<tc>, window_params = [{transform_indices = @transform_0, window_bounds = array<i64: 1, 1000, 128>}, {transform_indices = @transform_1, window_bounds = array<i64: 1, 1000, 128>}, {transform_indices = @transform_2, window_bounds = array<i64: 1000, 128>}, {transform_indices = @transform_3, window_bounds = array<i64: 1000, 1>}, {pipeline_mode = #tpu.pipeline_mode<synchronous>, transform_indices = @transform_4, window_bounds = array<i64: 1, 128>}, {pipeline_mode = #tpu.pipeline_mode<synchronous>, transform_indices = @transform_5, window_bounds = array<i64: 128, 64>}, {transform_indices = @transform_6, window_bounds = array<i64: 1000, 128>}]} {
    %get3A = arith.constant 0 : index
    %get3A_0 = arith.constant 0 : index
    %get3A_1 = arith.constant 0 : index
    %get3A_2 = vector.load %arg1[%get3A, %get3A_0, %get3A_1] : memref<1x1000x128xf32, #tpu.memory_space<vmem>>, vector<1x1000x128xf32>
    %get3A_3 = vector.shape_cast %get3A_2 : vector<1x1000x128xf32> to vector<1000x128xf32>
    %get3A_4 = arith.constant 0 : index
    %get3A_5 = arith.constant 0 : index
    %get3A_6 = arith.constant 0 : index
    %get3A_7 = vector.load %arg2[%get3A_4, %get3A_5, %get3A_6] : memref<1x1000x128xf32, #tpu.memory_space<vmem>>, vector<1x1000x128xf32>
    %get3A_8 = vector.shape_cast %get3A_7 : vector<1x1000x128xf32> to vector<1000x128xf32>
    %add3A = arith.addf %get3A_3, %get3A_8 : vector<1000x128xf32>
    %get3A_9 = arith.constant 0 : index
    %get3A_10 = arith.constant 0 : index
    %get3A_11 = vector.load %arg3[%get3A_9, %get3A_10] : memref<1000x128xf32, #tpu.memory_space<vmem>>, vector<1000x128xf32>
    %add3A_12 = arith.addf %add3A, %get3A_11 : vector<1000x128xf32>
    %get3A_13 = arith.constant 0 : index
    %get3A_14 = arith.constant 0 : index
    %get3A_15 = vector.load %arg4[%get3A_13, %get3A_14] : memref<1000x1xf32, #tpu.memory_space<vmem>>, vector<1000x1xf32>
    %mul3A = vector.broadcast %get3A_15 : vector<1000x1xf32> to vector<1000x128xf32>
    %mul3A_16 = arith.mulf %add3A_12, %mul3A : vector<1000x128xf32>
    %get3A_17 = arith.constant 0 : index
    %get3A_18 = arith.constant 0 : index
    %get3A_19 = vector.load %arg5[%get3A_17, %get3A_18] : memref<1x128xf32, #tpu.memory_space<vmem>>, vector<1x128xf32>
    %add3A_20 = vector.broadcast %get3A_19 : vector<1x128xf32> to vector<1000x128xf32>
    %add3A_21 = arith.addf %mul3A_16, %add3A_20 : vector<1000x128xf32>
    %max3A = arith.constant 0.000000e+00 : f32
    %max3A_22 = vector.broadcast %max3A : f32 to vector<1000x128xf32>
    %max3A_23 = arith.maximumf %add3A_21, %max3A_22 : vector<1000x128xf32>
    %get3A_24 = arith.constant 0 : index
    %get3A_25 = arith.constant 0 : index
    %get3A_26 = vector.load %arg6[%get3A_24, %get3A_25] : memref<128x64xf32, #tpu.memory_space<vmem>>, vector<128x64xf32>
    %dot_general3A = arith.constant dense<0.000000e+00> : vector<1000x64xf32>
    %dot_general3A_27 = tpu.matmul %max3A_23, %get3A_26, %dot_general3A {dimension_numbers = #tpu.dot_dimension_numbers<[1], [0], [0], [1], [0, 0, 1, 1], [], []>, precision = #tpu.contract_precision<fp32>, transpose_lhs_hint = false} : vector<1000x128xf32>, vector<128x64xf32>, vector<1000x64xf32> -> vector<1000x64xf32>
    %get3A_28 = arith.constant 0 : index
    %get3A_29 = arith.constant 0 : index
    %get3A_30 = vector.load %arg4[%get3A_28, %get3A_29] : memref<1000x1xf32, #tpu.memory_space<vmem>>, vector<1000x1xf32>
    %mul3A_31 = vector.broadcast %get3A_30 : vector<1000x1xf32> to vector<1000x64xf32>
    %mul3A_32 = arith.mulf %dot_general3A_27, %mul3A_31 : vector<1000x64xf32>
    %broadcast_in_dim3A = arith.constant 0.000000e+00 : f32
    %broadcast_in_dim3A_33 = vector.broadcast %broadcast_in_dim3A : f32 to vector<1000x64xf32>
    %concatenate3A = tpu.concatenate %mul3A_32, %broadcast_in_dim3A_33 in 1 : vector<1000x64xf32>, vector<1000x64xf32> -> vector<1000x128xf32>
    %swap3A = arith.constant 0 : index
    %swap3A_34 = arith.constant 0 : index
    %swap3A_35 = vector.load %arg7[%swap3A, %swap3A_34] : memref<1000x128xf32, #tpu.memory_space<vmem>>, vector<1000x128xf32>
    tpu.vector_store %arg7[%swap3A, %swap3A_34], %concatenate3A {strides = array<i32>} : memref<1000x128xf32, #tpu.memory_space<vmem>>, vector<1000x128xf32>,
    return
  }
  func.func @transform_0(%arg0: i32) -> (i32, i32, i32) {
    %c0_i32 = arith.constant 0 : i32
    %c0_i32_0 = arith.constant 0 : i32
    %c0_i32_1 = arith.constant 0 : i32
    return %c0_i32, %arg0, %c0_i32_0 : i32, i32, i32
  }
  func.func @transform_1(%arg0: i32) -> (i32, i32, i32) {
    %c1_i32 = arith.constant 1 : i32
    %c0_i32 = arith.constant 0 : i32
    %c0_i32_0 = arith.constant 0 : i32
    return %c1_i32, %arg0, %c0_i32 : i32, i32, i32
  }
  func.func @transform_2(%arg0: i32) -> (i32, i32) {
    %c0_i32 = arith.constant 0 : i32
    %c0_i32_0 = arith.constant 0 : i32
    return %arg0, %c0_i32 : i32, i32
  }
  func.func @transform_3(%arg0: i32) -> (i32, i32) {
    %c0_i32 = arith.constant 0 : i32
    %c0_i32_0 = arith.constant 0 : i32
    return %arg0, %c0_i32 : i32, i32
  }
  func.func @transform_4(%arg0: i32) -> (i32, i32) {
    %c0_i32 = arith.constant 0 : i32
    %c0_i32_0 = arith.constant 0 : i32
    %c0_i32_1 = arith.constant 0 : i32
    return %c0_i32, %c0_i32_0 : i32, i32
  }
  func.func @transform_5(%arg0: i32) -> (i32, i32) {
    %c0_i32 = arith.constant 0 : i32
    %c0_i32_0 = arith.constant 0 : i32
    %c0_i32_1 = arith.constant 0 : i32
    return %c0_i32, %c0_i32_0 : i32, i32
  }
  func.func @transform_6(%arg0: i32) -> (i32, i32) {
    %c0_i32 = arith.constant 0 : i32
    %c0_i32_0 = arith.constant 0 : i32
    return %arg0, %c0_i32 : i32, i32
  }
}

module attributes {stable_mosaic.version = 14 : i64} {
  func.func @body(%arg0: i32, %arg1: memref<1x1000x128xf32, #tpu.memory_space<vmem>>, %arg2: memref<1x1000x128xf32, #tpu.memory_space<vmem>>, %arg3: memref<1000x128xf32, #tpu.memory_space<vmem>>, %arg4: memref<1000x1xf32, #tpu.memory_space<vmem>>, %arg5: memref<1x128xf32, #tpu.memory_space<vmem>>, %arg6: memref<128x128xf32, #tpu.memory_space<vmem>>, %arg7: memref<1x128xf32, #tpu.memory_space<vmem>>, %arg8: memref<1000x128xf32, #tpu.memory_space<vmem>>) attributes {dimension_semantics = [#tpu.dimension_semantics<arbitrary>], iteration_bounds = array<i64: 10>, scalar_prefetch = 0 : i64, scratch_operands = 0 : i64, tpu.core_type = #tpu.core_type<tc>, window_params = [{transform_indices = @transform_0, window_bounds = array<i64: 1, 1000, 128>}, {transform_indices = @transform_1, window_bounds = array<i64: 1, 1000, 128>}, {transform_indices = @transform_2, window_bounds = array<i64: 1000, 128>}, {transform_indices = @transform_3, window_bounds = array<i64: 1000, 1>}, {pipeline_mode = #tpu.pipeline_mode<synchronous>, transform_indices = @transform_4, window_bounds = array<i64: 1, 128>}, {pipeline_mode = #tpu.pipeline_mode<synchronous>, transform_indices = @transform_5, window_bounds = array<i64: 128, 128>}, {pipeline_mode = #tpu.pipeline_mode<synchronous>, transform_indices = @transform_6, window_bounds = array<i64: 1, 128>}, {transform_indices = @transform_7, window_bounds = array<i64: 1000, 128>}]} {
    %get3A = arith.constant 0 : index
    %get3A_0 = arith.constant 0 : index
    %get3A_1 = arith.constant 0 : index
    %get3A_2 = vector.load %arg1[%get3A, %get3A_0, %get3A_1] : memref<1x1000x128xf32, #tpu.memory_space<vmem>>, vector<1x1000x128xf32>
    %get3A_3 = vector.shape_cast %get3A_2 : vector<1x1000x128xf32> to vector<1000x128xf32>
    %get3A_4 = arith.constant 0 : index
    %get3A_5 = arith.constant 0 : index
    %get3A_6 = arith.constant 0 : index
    %get3A_7 = vector.load %arg2[%get3A_4, %get3A_5, %get3A_6] : memref<1x1000x128xf32, #tpu.memory_space<vmem>>, vector<1x1000x128xf32>
    %get3A_8 = vector.shape_cast %get3A_7 : vector<1x1000x128xf32> to vector<1000x128xf32>
    %add3A = arith.addf %get3A_3, %get3A_8 : vector<1000x128xf32>
    %get3A_9 = arith.constant 0 : index
    %get3A_10 = arith.constant 0 : index
    %get3A_11 = vector.load %arg3[%get3A_9, %get3A_10] : memref<1000x128xf32, #tpu.memory_space<vmem>>, vector<1000x128xf32>
    %add3A_12 = arith.addf %add3A, %get3A_11 : vector<1000x128xf32>
    %get3A_13 = arith.constant 0 : index
    %get3A_14 = arith.constant 0 : index
    %get3A_15 = vector.load %arg4[%get3A_13, %get3A_14] : memref<1000x1xf32, #tpu.memory_space<vmem>>, vector<1000x1xf32>
    %mul3A = vector.broadcast %get3A_15 : vector<1000x1xf32> to vector<1000x128xf32>
    %mul3A_16 = arith.mulf %add3A_12, %mul3A : vector<1000x128xf32>
    %get3A_17 = arith.constant 0 : index
    %get3A_18 = arith.constant 0 : index
    %get3A_19 = vector.load %arg5[%get3A_17, %get3A_18] : memref<1x128xf32, #tpu.memory_space<vmem>>, vector<1x128xf32>
    %add3A_20 = vector.broadcast %get3A_19 : vector<1x128xf32> to vector<1000x128xf32>
    %add3A_21 = arith.addf %mul3A_16, %add3A_20 : vector<1000x128xf32>
    %get3A_22 = arith.constant 0 : index
    %get3A_23 = arith.constant 0 : index
    %get3A_24 = vector.load %arg6[%get3A_22, %get3A_23] : memref<128x128xf32, #tpu.memory_space<vmem>>, vector<128x128xf32>
    %dot_general3A = arith.constant dense<0.000000e+00> : vector<1000x128xf32>
    %dot_general3A_25 = tpu.matmul %add3A_21, %get3A_24, %dot_general3A {dimension_numbers = #tpu.dot_dimension_numbers<[1], [0], [0], [1], [0, 0, 1, 1], [], []>, precision = #tpu.contract_precision<fp32>, transpose_lhs_hint = false} : vector<1000x128xf32>, vector<128x128xf32>, vector<1000x128xf32> -> vector<1000x128xf32>
    %get3A_26 = arith.constant 0 : index
    %get3A_27 = arith.constant 0 : index
    %get3A_28 = vector.load %arg7[%get3A_26, %get3A_27] : memref<1x128xf32, #tpu.memory_space<vmem>>, vector<1x128xf32>
    %add3A_29 = vector.broadcast %get3A_28 : vector<1x128xf32> to vector<1000x128xf32>
    %add3A_30 = arith.addf %dot_general3A_25, %add3A_29 : vector<1000x128xf32>
    %neg3A = arith.constant 0.000000e+00 : f32
    %neg3A_31 = vector.broadcast %neg3A : f32 to vector<1000x128xf32>
    %neg3A_32 = arith.subf %neg3A_31, %add3A_30 : vector<1000x128xf32>
    %exp3A = math.exp %neg3A_32 : vector<1000x128xf32>
    %add3A_33 = arith.constant 1.000000e+00 : f32
    %add3A_34 = vector.broadcast %add3A_33 : f32 to vector<1000x128xf32>
    %add3A_35 = arith.addf %add3A_34, %exp3A : vector<1000x128xf32>
    %div3A = arith.constant 1.000000e+00 : f32
    %div3A_36 = vector.broadcast %div3A : f32 to vector<1000x128xf32>
    %div3A_37 = arith.divf %div3A_36, %add3A_35 : vector<1000x128xf32>
    %swap3A = arith.constant 0 : index
    %swap3A_38 = arith.constant 0 : index
    %swap3A_39 = vector.load %arg8[%swap3A, %swap3A_38] : memref<1000x128xf32, #tpu.memory_space<vmem>>, vector<1000x128xf32>
    tpu.vector_store %arg8[%swap3A, %swap3A_38], %div3A_37 {strides = array<i32>} : memref<1000x128xf32, #tpu.memory_space<vmem>>, vector<1000x128xf32>,
    return
  }
  func.func @transform_0(%arg0: i32) -> (i32, i32, i32) {
    %c0_i32 = arith.constant 0 : i32
    %c0_i32_0 = arith.constant 0 : i32
    %c0_i32_1 = arith.constant 0 : i32
    return %c0_i32, %arg0, %c0_i32_0 : i32, i32, i32
  }
  func.func @transform_1(%arg0: i32) -> (i32, i32, i32) {
    %c1_i32 = arith.constant 1 : i32
    %c0_i32 = arith.constant 0 : i32
    %c0_i32_0 = arith.constant 0 : i32
    return %c1_i32, %arg0, %c0_i32 : i32, i32, i32
  }
  func.func @transform_2(%arg0: i32) -> (i32, i32) {
    %c0_i32 = arith.constant 0 : i32
    %c0_i32_0 = arith.constant 0 : i32
    return %arg0, %c0_i32 : i32, i32
  }
  func.func @transform_3(%arg0: i32) -> (i32, i32) {
    %c0_i32 = arith.constant 0 : i32
    %c0_i32_0 = arith.constant 0 : i32
    return %arg0, %c0_i32 : i32, i32
  }
  func.func @transform_4(%arg0: i32) -> (i32, i32) {
    %c0_i32 = arith.constant 0 : i32
    %c0_i32_0 = arith.constant 0 : i32
    %c0_i32_1 = arith.constant 0 : i32
    return %c0_i32, %c0_i32_0 : i32, i32
  }
  func.func @transform_5(%arg0: i32) -> (i32, i32) {
    %c0_i32 = arith.constant 0 : i32
    %c0_i32_0 = arith.constant 0 : i32
    %c0_i32_1 = arith.constant 0 : i32
    return %c0_i32, %c0_i32_0 : i32, i32
  }
  func.func @transform_6(%arg0: i32) -> (i32, i32) {
    %c0_i32 = arith.constant 0 : i32
    %c0_i32_0 = arith.constant 0 : i32
    %c0_i32_1 = arith.constant 0 : i32
    return %c0_i32, %c0_i32_0 : i32, i32
  }
  func.func @transform_7(%arg0: i32) -> (i32, i32) {
    %c0_i32 = arith.constant 0 : i32
    %c0_i32_0 = arith.constant 0 : i32
    return %arg0, %c0_i32 : i32, i32
  }
}

</mosaic_0001>

<sc_bundles>
// kernel: kernel.11.cloned.1.call-start
scs
__scs_entry_jumppad:
0x0: {  	(pc) =	sbr.rel $0x88, $3  }
0x1: {  	(tag) =	ssettag $0x0;
	lr =	simm.s32 $0x1  }
0x2: {  	[smem:$0x3F99] =	sst lr;
	_ =	strace $0xD0000000  }
0x3: {  	_ = 	snop  }
0x4: {  	_ = 	snop  }
0x5: {  	_ = 	snop  }
0x6: {  	_ = 	snop  }
0x7: {  	_ = 	snop  }
__scs_overlays_trampoline_lowered:
0x8: {  	[smem:$0x3FA8] =	sst s0  }
0x9: {  	[smem:$0x3FA9] =	sst s1  }
0xa: {  	[smem:$0x3FAA] =	sst s2  }
0xb: {  	[smem:$0x3FAB] =	sst s3  }
0xc: {  	[smem:$0x3FAC] =	sst s4  }
0xd: {  	[smem:$0x3FAD] =	sst s5  }
0xe: {  	[smem:$0x3FAE] =	sst s6  }
0xf: {  	[smem:$0x3FAF] =	sst s7  }
0x10: {  	[smem:$0x3FB0] =	sst s8  }
0x11: {  	[smem:$0x3FB1] =	sst s9;
	s0 =	simm.s32 @!p0 $0x0  }
0x12: {  	s1 =	sld [smem:$0x3F97];
	s0 =	simm.s32 @p0 $0x1  }
0x13: {  	[smem:$0x3FB2] =	sst s0;
	s0 =	simm.s32 @!p1 $0x0  }
0x14: {  	s2 =	sld [smem:$0x3F96];
	s0 =	simm.s32 @p1 $0x1  }
0x15: {  	[smem:$0x3FB3] =	sst s0;
	s0 =	simm.s32 @!p2 $0x0  }
0x16: {  	s3 =	sld [smem:$0x3FDB];
	s0 =	simm.s32 @p2 $0x1  }
0x17: {  	s4 =	simm.s32 $0x1BF5;
	[smem:$0x3FB5] =	sst s0  }
0x18: {  	s0 =	sld [smem:$0x3F98];
	_ =	swait.ge [sflag:s4], $0x0  }
0x19: {  	s7 =	sld [smem:$0x3F99]  }
0x1a: {  	s8 =	sadd.s32 $0xFFFFE003, lr  }
0x1b: {  	s9 =	sadd.s32 $0xFFFFFEF7, lr;
	s5 =	simm.s32 $0xFFFFFFFF;
	p2 =	slt.u32 s8, $0xFFFFF086  }
0x1c: {  	p1 =	slt.u32 s9, $0xF7A;
	s5 =	simm.s32 @!p2 $0x0  }
0x1d: {  	s5 =	simm.s32 @p1 $0x1;
	p0 =	seq.s32 s7, s2  }
0x1e: {  	s7 =	smul.u32 @!p0 $0xF7A, s2;
	p2 =	seq.s32 @!p0 s5, $0x0  }
0x1f: {  	s9 =	smul.u32 $0xF7A, s1;
	s8 =	simm.s32 @!p0 $0x1BF5;
	p2 =	por !p2, p0  }
0x20: {  	[sflag:s8] =	ssyncset.s32 @!p0 $0xFFFFF086;
	s6 =	sadd.s32 @!p0 s3, s7;
	s7 =	simm.s32 @!p0 $0x108  }
0x21: {  	s3 =	sadd.s32 s3, s9;
	s6 =	sadd.s32 @!p0 $0x88, s6;
	s7 =	simm.s32 @p2 $0x1082  }
0x22: {  	[simem:s7], [sflag:s8] =	dma.local @!p0 [hbm:s6], $0xF7A  }
0x23: {  	s9 =	sor.u32 $0xD0000000, s2;
	s6 =	simm.s32 $0x108;
	_ =	swait.ge @!p0 [sflag:s8], $0x0  }
0x24: {  	s3 =	sadd.s32 $0x88, s3;
	s6 =	simm.s32 @!p1 $0x1082;
	[sflag:s4] =	ssyncset.s32 $0xFFFFF086  }
0x25: {  	[simem:s6], [sflag:s4] =	dma.local [hbm:s3], $0xF7A  }
0x26: {  	[smem:$0x3F99] =	sst s1;
	(tag) =	ssettag s2;
	_ =	strace s9  }
0x27: {  	s1 =	sld [smem:$0x3FA9]  }
0x28: {  	s2 =	sld [smem:$0x3FAA]  }
0x29: {  	s4 =	sld [smem:$0x3FAC]  }
0x2a: {  	p0 =	seq.s32 s5, $0x0;
	s5 =	sld [smem:$0x3FAD]  }
0x2b: {  	s6 =	sld [smem:$0x3FAE]  }
0x2c: {  	s7 =	sld [smem:$0x3FAF]  }
0x2d: {  	s3 =	simm.s32 $0x108;
	s8 =	sld [smem:$0x3FB0]  }
0x2e: {  	s3 =	simm.s32 @!p0 $0x1082;
	s9 =	sld [smem:$0x3FB1]  }
0x2f: {  	lr =	sadd.s32 s0, s3;
	s0 =	sld [smem:$0x3FA8]  }
0x30: {  	s3 =	sld [smem:$0x3FAB]  }
0x31: {  	[smem:$0x3FB4] =	sst s10  }
0x32: {  	s10 =	sld [smem:$0x3FB2];
	_ =	sdelay $0x3  }
0x33: {  	p0 =	seq.s32 s10, $0x1;
	s10 =	sld [smem:$0x3FB4];
	_ =	sdelay $0x3  }
0x34: {  	[smem:$0x3FB4] =	sst s10  }
0x35: {  	s10 =	sld [smem:$0x3FB3];
	_ =	sdelay $0x3  }
0x36: {  	p1 =	seq.s32 s10, $0x1;
	s10 =	sld [smem:$0x3FB4];
	_ =	sdelay $0x3  }
0x37: {  	[smem:$0x3FB4] =	sst s10  }
0x38: {  	s10 =	sld [smem:$0x3FB5]  }
0x39: {  	_ = 	snop;
	(pc) =	sbr.ind lr, $3  }
0x3a: {  	_ = 	snop  }
0x3b: {  	_ = 	snop  }
0x3c: {  	p2 =	seq.s32 s10, $0x1;
	s10 =	sld [smem:$0x3FB4]  }
0x3d: {  	_ =	shalt  }
0x3e: {  	_ =	shalt  }
0x3f: {  	_ =	shalt  }
0x40: {  	_ =	shalt  }
0x41: {  	_ =	shalt  }
0x42: {  	_ =	shalt  }
0x43: {  	_ =	shalt  }
0x44: {  	_ =	shalt  }
0x45: {  	_ =	shalt  }
0x46: {  	_ =	shalt  }
0x47: {  	_ =	shalt  }
0x48: {  	_ =	shalt  }
0x49: {  	_ =	shalt  }
0x4a: {  	_ =	shalt  }
0x4b: {  	_ =	shalt  }
0x4c: {  	_ =	shalt  }
0x4d: {  	_ =	shalt  }
0x4e: {  	_ =	shalt  }
0x4f: {  	_ =	shalt  }
0x50: {  	_ =	shalt  }
0x51: {  	_ =	shalt  }
0x52: {  	_ =	shalt  }
0x53: {  	_ =	shalt  }
0x54: {  	_ =	shalt  }
0x55: {  	_ =	shalt  }
0x56: {  	_ =	shalt  }
0x57: {  	_ =	shalt  }
0x58: {  	_ =	shalt  }
0x59: {  	_ =	shalt  }
0x5a: {  	_ =	shalt  }
0x5b: {  	_ =	shalt  }
0x5c: {  	_ =	shalt  }
0x5d: {  	_ =	shalt  }
0x5e: {  	_ =	shalt  }
0x5f: {  	_ =	shalt  }
0x60: {  	_ =	shalt  }
0x61: {  	_ =	shalt  }
0x62: {  	_ =	shalt  }
0x63: {  	_ =	shalt  }
0x64: {  	_ =	shalt  }
0x65: {  	_ =	shalt  }
0x66: {  	_ =	shalt  }
0x67: {  	_ =	shalt  }
0x68: {  	_ =	shalt  }
0x69: {  	_ =	shalt  }
0x6a: {  	_ =	shalt  }
0x6b: {  	_ =	shalt  }
0x6c: {  	_ =	shalt  }
0x6d: {  	_ =	shalt  }
0x6e: {  	_ =	shalt  }
0x6f: {  	_ =	shalt  }
0x70: {  	_ =	shalt  }
0x71: {  	_ =	shalt  }
0x72: {  	_ =	shalt  }
0x73: {  	_ =	shalt  }
0x74: {  	_ =	shalt  }
0x75: {  	_ =	shalt  }
0x76: {  	_ =	shalt  }
0x77: {  	_ =	shalt  }
0x78: {  	_ =	shalt  }
0x79: {  	_ =	shalt  }
0x7a: {  	_ =	shalt  }
0x7b: {  	_ =	shalt  }
0x7c: {  	_ =	shalt  }
0x7d: {  	_ =	shalt  }
0x7e: {  	_ =	shalt  }
0x7f: {  	_ =	shalt  }
0x80: {  	_ =	shalt  }
0x81: {  	_ =	shalt  }
0x82: {  	_ =	shalt  }
0x83: {  	_ =	shalt  }
0x84: {  	_ =	shalt  }
0x85: {  	_ =	shalt  }
0x86: {  	_ =	shalt  }
0x87: {  	_ =	shalt  }
.Lfunc_end0:
.L_simem_size_0:
called_computation.1_lowered:
.L_overlay_start_0:
0x88: {  	s2 =	sld [smem:$0x3FD9]  }
0x89: {  	s3 =	sld [smem:$0x3FFE];
	_ =	sdelay $0x1  }
0x8a: {  	s1 =	srdreg.scid  }
0x8b: {  	s0 =	sand.u32 $0x1, s1  }
0x8c: {  	s17 =	sshll.u32 s0, $0xA;
	s2 =	sadd.s32 s3, s2  }
0x8d: {  	s2 =	sadd.s32 s2, s17  }
0x8e: {  	[smem:$0x3FC0] =	sst s2  }
0x8f: {  	_ = 	snop  }
0x90: {  	s2 =	sld [smem:$0x3FD0];
	(tm) =	ssettm $0x1  }
0x91: {  	s18 =	sld [smem:$0x3FFB];
	_ =	sdelay $0x3  }
0x92: {  	_ =	strace s18  }
0x93: {  	s3 =	sld [smem:$0x3FFC];
	_ =	sdelay $0x3  }
0x94: {  	_ =	strace s3  }
0x95: {  	s3 =	sld [smem:$0x3FFD];
	_ =	sdelay $0x3  }
0x96: {  	_ =	strace s3  }
0x97: {  	_ =	strace $0x8FFFFFFF  }
0x98: {  	s19 =	sld [smem:$0x3FDB];
	_ =	sdelay $0x1  }
0x99: {  	s4 =	simm.s32 $_scs_section_size  }
0x9a: {  	s5 =	simm.s32 $_size__tile_overlayer_lowered;
	s6 =	simm.s32 $_tile_overlayer_lowered  }
0x9b: {  	s22 =	simm.s32 $0x1BFF;
	s21 =	sshll.u32 s6, $0x1;
	s3 =	sadd.s32 s4, s19  }
0x9c: {  	s7 =	simm.s32 $0x0;
	s20 =	sshll.u32 s5, $0x1;
	s5 =	sadd.s32 s21, s3  }
0x9d: {  	[timem:s7], [sflag:s22] =	dma.local [hbm:s5], s20  }
0x9e: {  	_ =	swait.ge [sflag:s22], s20  }
0x9f: {  	s4 =	ssub.s32 $0x0, s20;
	[sflag:s22] =	ssyncset.done $0x0  }
0xa0: {  	[sflag:s22] =	ssyncadd.s32 s4;
	_ =	sdelay $0x1  }
0xa1: {  	s23 =	simm.s32 $0x1B8B  }
0xa2: {  	_ =	swait.ge [sflag:s23], $0x1  }
0xa3: {  	[sflag:s23] =	ssyncset.done $0x0  }
0xa4: {  	s25 =	simm.s32 $0x1B8E;
	s24 =	sld [smem:$0x3FFE];
	[sflag:s23] =	ssyncadd.s32 $0xFFFFFFFF  }
0xa5: {  	s26 =	simm.s32 $execute0_lowered;
	[smem:$0x3FD2] =	sst s25  }
0xa6: {  	s5 =	sshll.u32 s26, $0x1;
	_ =	strace $0x80000049;
	[dreg:$0x1] =	wrdreg $0xFFFFFFFF  }
0xa7: {  	s28 =	simm.s32 $_size_execute0_lowered;
	s3 =	sadd.s32 s3, s5;
	[dreg:$0x0] =	wrdreg $0x0  }
0xa8: {  	s5 =	sshll.u32 s28, $0x1;
	[dreg:$0x2] =	wrdreg s3  }
0xa9: {  	[dreg:$0x3] =	wrdreg s5  }
0xaa: {  	[dreg:$0x4] =	wrdreg $0xC0  }
0xab: {  	_ =	task [dreg:s7], $0x5FFFF  }
0xac: {  	[dreg:$0x1] =	wrdreg $0xFFFFFFFF  }
0xad: {  	[dreg:$0x0] =	wrdreg $0x60  }
0xae: {  	[dreg:$0x2] =	wrdreg s2  }
0xaf: {  	[dreg:$0x3] =	wrdreg s24  }
0xb0: {  	[dreg:$0x4] =	wrdreg $0x9F000  }
0xb1: {  	[dreg:$0x5] =	wrdreg $0x9  }
0xb2: {  	_ =	task.clear_ibuf [dreg:s7], $0x6FFFF;
	_ =	strace $0x90000049  }
0xb3: {  	s29 =	simm.s32 $0x9;
	_ =	strace $0x8000004B  }
0xb4: {  	_ =	swait.ge [sflag:s29], $0x1  }
0xb5: {  	[sflag:s29] =	ssyncadd.s32 $0xFFFFFFFF  }
0xb6: {  	_ =	strace $0x9000004B  }
0xb7: {  	_ =	sfence  }
0xb8: {  	s30 =	sld [smem:$0x0];
	_ =	sdelay $0x2  }
0xb9: {  	s31 =	sshll.u32 s1, $0xD;
	s1 =	sshrl.u32 s1, $0x2  }
0xba: {  	s3 =	sand.u32 $0x4000, s31;
	s1 =	sadd.s32 s1, s30  }
0xbb: {  	s0 =	sor.u32 s3, s0;
	s1 =	sshll.u32 s1, $0x11  }
0xbc: {  	s0 =	sor.u32 s1, s0  }
0xbd: {  	s0 =	sadd.s32 $0x8F2B, s0  }
0xbe: {  	[sflag:s0] =	ssyncadd.remote.s32 $0x1  }
0xbf: {  	_ =	sfence.sel $0xFFFF  }
0xc0: {  	[dreg:$0x0] =	wrdreg $0xFFFFFFFF;
	(pc) =	sbr.abs _section_cstart, $3  }
0xc1: {  	[dreg:$0x1] =	wrdreg $0xFFFFFFFF  }
0xc2: {  	_ =	task.clear_ibuf [dreg:s7], $0x2FFFF;
	_ =	strace $0x9FFFFFFF  }
0xc3: {  	(tm) =	ssettm $0x7FFFFFFF  }
tec
execute0_lowered:
.L_overlay_start_1:
0x0: {  	(tag) =	ssettag $0x1  }
0x1: {  	s0 =	rddreg [dreg:$0x0]  }
0x2: {  	s1 =	srdreg.scid;
	s6 =	rddreg [dreg:$0x1]  }
0x3: {  	s3 =	rddreg [dreg:$0x2];
	s2 =	stileid.u32  }
0x4: {  	s4 =	simm.s32 $0x0;
	s13 =	simm.s32 $0x50;
	s14 =	simm.s32 $0x4F00  }
0x5: {  	s15 =	simm.s32 $0x7700;
	s16 =	simm.s32 $0x1;
	s17 =	simm.s32 $0x2  }
0x6: {  	s5 =	sand.u32 $0x1, s1;
	s1 =	rddreg [dreg:$0x3];
	s10 =	smul.u32 $0x50000, s2  }
0x7: {  	s18 =	simm.s32 $0x4E40;
	[smem:$0x7FF] =	sst s4;
	s20 =	smul.u32 $0x2800, s2  }
0x8: {  	s11 =	sshll.u32 s2, $0x6;
	s7 =	sshll.u32 s5, $0x4;
	_ =	strace $0x8000004A  }
0x9: {  	s8 =	smul.u32 $0x28000, s5;
	s9 =	ssub.s32 $0x2, s5;
	s5 =	sadd.s32 $0x15C00, s6  }
0xa: {  	s11 =	sor.u32 $0x1C03, s11;
	s7 =	sor.u32 s2, s7;
	s31 =	sshrl.u32 s9, $0x1  }
0xb: {  	s10 =	sshrl.u32 s10, $0x2;
	s7 =	smul.u32 $0x4E2, s7;
	s8 =	sadd.s32 s8, s6  }
0xc: {  	s9 =	ssub.s32 s9, s31;
	s12 =	sadd.s32 s10, s3;
	s10 =	simm.s32 $0x2780  }
0xd: {  	s19 =	sadd.s32 $0x18400, s8;
	s8 =	smax.u32 s9, $0x1;
	s9 =	simm.s32 $0x3  }
0xe: {  	s12 =	sshrl.u32 s12, $0x3;
	s7 =	sadd.s32 s7, s6;
	s19 =	sadd.s32 s20, s19  }
0xf: {  	s20 =	simm.s32 $0x0;
	s6 =	sadd.s32 $0x2000, s7;
	s7 =	sadd.s32 $0xBE00, s7  }
.LBB2_1:
0x10: {  	[tilespmem:s4], [sflag:$0x3] =	stream.linear.gather [hbm4b:s6+s4], $0x2710, $0x38;
	[tilespmem:$0x1DF00] =	vst v63  }
0x11: {  	_ =	swait.ge [sflag:s9], $0x2710  }
0x12: {  	[sflag:s9] =	ssyncset.done $0x0  }
0x13: {  	[sflag:s9] =	ssyncadd.s32 $0xFFFFD8F0  }
0x14: {  	[tilespmem:s10], [sflag:$0x3] =	stream.linear.gather [hbm4b:s7+s4], $0x2710, $0x38;
	[tilespmem:$0x1DF00] =	vst v63  }
0x15: {  	_ =	swait.ge [sflag:s9], $0x2710  }
0x16: {  	[sflag:s9] =	ssyncset.done $0x0  }
0x17: {  	[sflag:s9] =	ssyncadd.s32 $0xFFFFD8F0  }
0x18: {  	[spmem:s12], [sflag:s11] =	dma.local [hbm:s5], $0x2800  }
0x19: {  	_ =	swait.ge [sflag:s9], $0x2800  }
0x1a: {  	[sflag:s9] =	ssyncset.done $0x0  }
0x1b: {  	[sflag:s9] =	ssyncadd.s32 $0xFFFFD800  }
0x1c: {  	[bflag:$0x0] =	sbarrier.arrive $0xFFFF  }
0x1d: {  	[tilespmem:s14], [sflag:$0x1] =	stream.indirect.gather [hbm4b:s0+s13], $0x80, s4, s13, $0xb8;
	[tilespmem:$0x1DF00] =	vst v63  }
0x1e: {  	s21 =	simm.s32 $0x50  }
0x1f: {  	[tilespmem:s15], [sflag:$0x2] =	stream.indirect.gather [hbm4b:s0+s13], $0x80, s21, s13, $0xb8;
	[tilespmem:$0x1DF00] =	vst v63  }
0x20: {  	_ =	swait.ge [sflag:s16], $0x2800  }
0x21: {  	[sflag:s16] =	ssyncset.done $0x0  }
0x22: {  	s29 =	simm.s32 $0x2780;
	[sflag:s16] =	ssyncadd.s32 $0xFFFFD800  }
0x23: {  	[spmem:s3] =	stream.indirect.scatter.add.f32 [tilespmem:s14], [sflag:$0x3], $0x80, s29, s13, $0xb8;
	[tilespmem:$0x1DF00] =	vst v63  }
0x24: {  	_ =	swait.ge [sflag:s9], $0x2800  }
0x25: {  	[sflag:s9] =	ssyncset.done $0x0  }
0x26: {  	s30 =	simm.s32 $0xA0;
	[sflag:s9] =	ssyncadd.s32 $0xFFFFD800  }
0x27: {  	[tilespmem:s14], [sflag:$0x1] =	stream.indirect.gather [hbm4b:s0+s13], $0x80, s30, s13, $0xb8;
	[tilespmem:$0x1DF00] =	vst v63  }
0x28: {  	_ =	swait.ge [sflag:s17], $0x2800  }
0x29: {  	[sflag:s17] =	ssyncset.done $0x0  }
0x2a: {  	s31 =	simm.s32 $0x27D0;
	[sflag:s17] =	ssyncadd.s32 $0xFFFFD800  }
0x2b: {  	[spmem:s3] =	stream.indirect.scatter.add.f32 [tilespmem:s15], [sflag:$0x3], $0x80, s31, s13, $0xb8;
	[tilespmem:$0x1DF00] =	vst v63  }
0x2c: {  	_ =	swait.ge [sflag:s9], $0x2800  }
0x2d: {  	s22 =	simm.s32 $0x500;
	s21 =	simm.s32 $0xA0;
	[sflag:s9] =	ssyncset.done $0x0  }
.LBB2_2:
0x2e: {  	s23 =	sadd.s32 $0x50, s21  }
0x2f: {  	[sflag:s9] =	ssyncadd.s32 $0xFFFFD800;
	s24 =	smov.u32 s22;
	s25 =	sadd.s32 $0x280, s22  }
0x30: {  	[tilespmem:s15], [sflag:$0x2] =	stream.indirect.gather [hbm4b:s0+s13], $0x80, s23, s13, $0xb8;
	[tilespmem:$0x1DF00] =	vst v63  }
0x31: {  	p0 =	sne.s32 s22, $0x9880;
	_ =	swait.ge [sflag:s16], $0x2800  }
0x32: {  	[sflag:s16] =	ssyncset.done $0x0  }
0x33: {  	s22 =	sadd.s32 $0x2780, s21;
	[sflag:s16] =	ssyncadd.s32 $0xFFFFD800  }
0x34: {  	[spmem:s3] =	stream.indirect.scatter.add.f32 [tilespmem:s14], [sflag:$0x3], $0x80, s22, s13, $0xb8;
	[tilespmem:$0x1DF00] =	vst v63  }
0x35: {  	_ =	swait.ge [sflag:s9], $0x2800  }
0x36: {  	[sflag:s9] =	ssyncset.done $0x0  }
0x37: {  	s22 =	sadd.s32 $0xA0, s21;
	[sflag:s9] =	ssyncadd.s32 $0xFFFFD800  }
0x38: {  	[tilespmem:s14], [sflag:$0x1] =	stream.indirect.gather [hbm4b:s0+s13], $0x80, s22, s13, $0xb8;
	[tilespmem:$0x1DF00] =	vst v63  }
0x39: {  	_ =	swait.ge [sflag:s17], $0x2800  }
.Ltmp0:
0x3a: {  	[sflag:s17] =	ssyncset.done $0x0;
	(pc) =	sbr.rel @p0 .LBB2_2-.Ltmp0, $4  }
0x3b: {  	s21 =	sadd.s32 $0x27D0, s21;
	[sflag:s17] =	ssyncadd.s32 $0xFFFFD800  }
0x3c: {  	[spmem:s3] =	stream.indirect.scatter.add.f32 [tilespmem:s15], [sflag:$0x3], $0x80, s21, s13, $0xb8;
	[tilespmem:$0x1DF00] =	vst v63  }
0x3d: {  	_ =	swait.ge [sflag:s9], $0x2800  }
0x3e: {  	s22 =	smov.u32 s25;
	s21 =	sshra.s32 s24, $0x2;
	[sflag:s9] =	ssyncset.done $0x0  }
0x3f: {  	s22 =	sadd.s32 $0x50, s21;
	[sflag:s9] =	ssyncadd.s32 $0xFFFFD800  }
0x40: {  	[tilespmem:s15], [sflag:$0x2] =	stream.indirect.gather [hbm4b:s0+s13], $0x80, s22, s13, $0xb8;
	[tilespmem:$0x1DF00] =	vst v63  }
0x41: {  	_ =	swait.ge [sflag:s16], $0x2800  }
0x42: {  	[sflag:s16] =	ssyncset.done $0x0  }
0x43: {  	s29 =	sadd.s32 $0x2780, s21;
	[sflag:s16] =	ssyncadd.s32 $0xFFFFD800  }
0x44: {  	[spmem:s3] =	stream.indirect.scatter.add.f32 [tilespmem:s14], [sflag:$0x3], $0x80, s29, s13, $0xb8;
	[tilespmem:$0x1DF00] =	vst v63  }
0x45: {  	_ =	swait.ge [sflag:s9], $0x2800  }
0x46: {  	[sflag:s9] =	ssyncset.done $0x0  }
0x47: {  	s30 =	sadd.s32 $0xA0, s21;
	[sflag:s9] =	ssyncadd.s32 $0xFFFFD800  }
0x48: {  	[tilespmem:s14], [sflag:$0x1] =	stream.indirect.gather [hbm4b:s0+s13], $0x80, s30, s13, $0xb8;
	[tilespmem:$0x1DF00] =	vst v63  }
0x49: {  	_ =	swait.ge [sflag:s17], $0x2800  }
0x4a: {  	[sflag:s17] =	ssyncset.done $0x0  }
0x4b: {  	s31 =	sadd.s32 $0x27D0, s21;
	[sflag:s17] =	ssyncadd.s32 $0xFFFFD800  }
0x4c: {  	[spmem:s3] =	stream.indirect.scatter.add.f32 [tilespmem:s15], [sflag:$0x3], $0x80, s31, s13, $0xb8;
	[tilespmem:$0x1DF00] =	vst v63  }
0x4d: {  	_ =	swait.ge [sflag:s9], $0x2800  }
0x4e: {  	[sflag:s9] =	ssyncset.done $0x0  }
0x4f: {  	[sflag:s9] =	ssyncadd.s32 $0xFFFFD800  }
0x50: {  	_ =	swait.ge [sflag:s16], $0x2800  }
0x51: {  	[sflag:s16] =	ssyncset.done $0x0  }
0x52: {  	[sflag:s16] =	ssyncadd.s32 $0xFFFFD800  }
0x53: {  	[spmem:s3] =	stream.indirect.scatter.add.f32 [tilespmem:s14], [sflag:$0x3], $0x80, s18, s13, $0xb8;
	[tilespmem:$0x1DF00] =	vst v63  }
0x54: {  	_ =	swait.ge [sflag:s9], $0x2800  }
0x55: {  	s20 =	sadd.s32 $0x1, s20;
	[sflag:s9] =	ssyncset.done $0x0  }
0x56: {  	p0 =	sne.s32 s20, s8;
	[sflag:s9] =	ssyncadd.s32 $0xFFFFD800  }
.Ltmp1:
0x57: {  	[bflag:$0x0] =	sbarrier.arrive $0xFFFF;
	(pc) =	sbr.rel @p0 .LBB2_1-.Ltmp1, $4  }
0x58: {  	[hbm:s19], [sflag:s11] =	dma.local [spmem:s12], $0x2800  }
0x59: {  	_ =	swait.ge [sflag:s9], $0x2800  }
0x5a: {  	[sflag:s9] =	ssyncset.done $0x0  }
0x5b: {  	[sflag:s9] =	ssyncadd.s32 $0xFFFFD800  }
0x5c: {  	_ =	sfence.sel $0x180000  }
0x5d: {  	[bflag:$0x0] =	sbarrier.arrive $0xFFFF  }
0x5e: {  	p0 =	sne.s32 s2, $0x0;
	_ =	strace $0x9000004A  }
0x5f: {  	s0 =	sadd.s32 @!p0 $0x100000, s1;
	[bflag:$0x2] =	sbarrier.arrive $0xFFFF  }
0x60: {  	[sflag:s0] =	ssyncadd.tile.s32 @!p0 $0x1;
	_ =	shalt  }
.Lfunc_end2:
_tile_overlayer_lowered:
.L_overlay_start_2:
0x61: {  	(tag) =	ssettag $0x2  }
0x62: {  	s0 =	rddreg [dreg:$0x0];
	s2 =	stileid.u32  }
0x63: {  	s1 =	rddreg [dreg:$0x1];
	p0 =	sne.s32 s2, $0x0  }
0x64: {  	s3 =	rddreg [dreg:$0x2];
	[bflag:$0x3] =	sbarrier.arrive $0xFFFF;
	s2 =	simm.s32 @!p0 $0x1C03  }
0x65: {  	[timem:s3], [sflag:s2] =	dma.local @!p0 [hbm:s0], s1  }
0x66: {  	s0 =	simm.s32 @!p0 $0x3  }
0x67: {  	_ =	swait.ge @!p0 [sflag:s0], s1  }
0x68: {  	s1 =	ssub.s32 @!p0 $0x0, s1;
	[sflag:s0] =	ssyncset.done @!p0 $0x0  }
0x69: {  	[sflag:s0] =	ssyncadd.s32 @!p0 s1  }
0x6a: {  	[bflag:$0x3] =	sbarrier.arrive $0xFFFF  }
0x6b: {  	_ =	shalt  }

// kernel: kernel.14.cloned.1.call-start
scs
__scs_entry_jumppad:
0x0: {  	(pc) =	sbr.rel $0x88, $3  }
0x1: {  	(tag) =	ssettag $0x0;
	lr =	simm.s32 $0x1  }
0x2: {  	[smem:$0x3F99] =	sst lr;
	_ =	strace $0xD0000000  }
0x3: {  	_ = 	snop  }
0x4: {  	_ = 	snop  }
0x5: {  	_ = 	snop  }
0x6: {  	_ = 	snop  }
0x7: {  	_ = 	snop  }
__scs_overlays_trampoline_lowered:
0x8: {  	[smem:$0x3FA8] =	sst s0  }
0x9: {  	[smem:$0x3FA9] =	sst s1  }
0xa: {  	[smem:$0x3FAA] =	sst s2  }
0xb: {  	[smem:$0x3FAB] =	sst s3  }
0xc: {  	[smem:$0x3FAC] =	sst s4  }
0xd: {  	[smem:$0x3FAD] =	sst s5  }
0xe: {  	[smem:$0x3FAE] =	sst s6  }
0xf: {  	[smem:$0x3FAF] =	sst s7  }
0x10: {  	[smem:$0x3FB0] =	sst s8  }
0x11: {  	[smem:$0x3FB1] =	sst s9;
	s0 =	simm.s32 @!p0 $0x0  }
0x12: {  	s1 =	sld [smem:$0x3F97];
	s0 =	simm.s32 @p0 $0x1  }
0x13: {  	[smem:$0x3FB2] =	sst s0;
	s0 =	simm.s32 @!p1 $0x0  }
0x14: {  	s2 =	sld [smem:$0x3F96];
	s0 =	simm.s32 @p1 $0x1  }
0x15: {  	[smem:$0x3FB3] =	sst s0;
	s0 =	simm.s32 @!p2 $0x0  }
0x16: {  	s3 =	sld [smem:$0x3FDB];
	s0 =	simm.s32 @p2 $0x1  }
0x17: {  	s4 =	simm.s32 $0x1BF5;
	[smem:$0x3FB5] =	sst s0  }
0x18: {  	s0 =	sld [smem:$0x3F98];
	_ =	swait.ge [sflag:s4], $0x0  }
0x19: {  	s7 =	sld [smem:$0x3F99]  }
0x1a: {  	s8 =	sadd.s32 $0xFFFFE003, lr  }
0x1b: {  	s9 =	sadd.s32 $0xFFFFFEF7, lr;
	s5 =	simm.s32 $0xFFFFFFFF;
	p2 =	slt.u32 s8, $0xFFFFF086  }
0x1c: {  	p1 =	slt.u32 s9, $0xF7A;
	s5 =	simm.s32 @!p2 $0x0  }
0x1d: {  	s5 =	simm.s32 @p1 $0x1;
	p0 =	seq.s32 s7, s2  }
0x1e: {  	s7 =	smul.u32 @!p0 $0xF7A, s2;
	p2 =	seq.s32 @!p0 s5, $0x0  }
0x1f: {  	s9 =	smul.u32 $0xF7A, s1;
	s8 =	simm.s32 @!p0 $0x1BF5;
	p2 =	por !p2, p0  }
0x20: {  	[sflag:s8] =	ssyncset.s32 @!p0 $0xFFFFF086;
	s6 =	sadd.s32 @!p0 s3, s7;
	s7 =	simm.s32 @!p0 $0x108  }
0x21: {  	s3 =	sadd.s32 s3, s9;
	s6 =	sadd.s32 @!p0 $0x88, s6;
	s7 =	simm.s32 @p2 $0x1082  }
0x22: {  	[simem:s7], [sflag:s8] =	dma.local @!p0 [hbm:s6], $0xF7A  }
0x23: {  	s9 =	sor.u32 $0xD0000000, s2;
	s6 =	simm.s32 $0x108;
	_ =	swait.ge @!p0 [sflag:s8], $0x0  }
0x24: {  	s3 =	sadd.s32 $0x88, s3;
	s6 =	simm.s32 @!p1 $0x1082;
	[sflag:s4] =	ssyncset.s32 $0xFFFFF086  }
0x25: {  	[simem:s6], [sflag:s4] =	dma.local [hbm:s3], $0xF7A  }
0x26: {  	[smem:$0x3F99] =	sst s1;
	(tag) =	ssettag s2;
	_ =	strace s9  }
0x27: {  	s1 =	sld [smem:$0x3FA9]  }
0x28: {  	s2 =	sld [smem:$0x3FAA]  }
0x29: {  	s4 =	sld [smem:$0x3FAC]  }
0x2a: {  	p0 =	seq.s32 s5, $0x0;
	s5 =	sld [smem:$0x3FAD]  }
0x2b: {  	s6 =	sld [smem:$0x3FAE]  }
0x2c: {  	s7 =	sld [smem:$0x3FAF]  }
0x2d: {  	s3 =	simm.s32 $0x108;
	s8 =	sld [smem:$0x3FB0]  }
0x2e: {  	s3 =	simm.s32 @!p0 $0x1082;
	s9 =	sld [smem:$0x3FB1]  }
0x2f: {  	lr =	sadd.s32 s0, s3;
	s0 =	sld [smem:$0x3FA8]  }
0x30: {  	s3 =	sld [smem:$0x3FAB]  }
0x31: {  	[smem:$0x3FB4] =	sst s10  }
0x32: {  	s10 =	sld [smem:$0x3FB2];
	_ =	sdelay $0x3  }
0x33: {  	p0 =	seq.s32 s10, $0x1;
	s10 =	sld [smem:$0x3FB4];
	_ =	sdelay $0x3  }
0x34: {  	[smem:$0x3FB4] =	sst s10  }
0x35: {  	s10 =	sld [smem:$0x3FB3];
	_ =	sdelay $0x3  }
0x36: {  	p1 =	seq.s32 s10, $0x1;
	s10 =	sld [smem:$0x3FB4];
	_ =	sdelay $0x3  }
0x37: {  	[smem:$0x3FB4] =	sst s10  }
0x38: {  	s10 =	sld [smem:$0x3FB5]  }
0x39: {  	_ = 	snop;
	(pc) =	sbr.ind lr, $3  }
0x3a: {  	_ = 	snop  }
0x3b: {  	_ = 	snop  }
0x3c: {  	p2 =	seq.s32 s10, $0x1;
	s10 =	sld [smem:$0x3FB4]  }
0x3d: {  	_ =	shalt  }
0x3e: {  	_ =	shalt  }
0x3f: {  	_ =	shalt  }
0x40: {  	_ =	shalt  }
0x41: {  	_ =	shalt  }
0x42: {  	_ =	shalt  }
0x43: {  	_ =	shalt  }
0x44: {  	_ =	shalt  }
0x45: {  	_ =	shalt  }
0x46: {  	_ =	shalt  }
0x47: {  	_ =	shalt  }
0x48: {  	_ =	shalt  }
0x49: {  	_ =	shalt  }
0x4a: {  	_ =	shalt  }
0x4b: {  	_ =	shalt  }
0x4c: {  	_ =	shalt  }
0x4d: {  	_ =	shalt  }
0x4e: {  	_ =	shalt  }
0x4f: {  	_ =	shalt  }
0x50: {  	_ =	shalt  }
0x51: {  	_ =	shalt  }
0x52: {  	_ =	shalt  }
0x53: {  	_ =	shalt  }
0x54: {  	_ =	shalt  }
0x55: {  	_ =	shalt  }
0x56: {  	_ =	shalt  }
0x57: {  	_ =	shalt  }
0x58: {  	_ =	shalt  }
0x59: {  	_ =	shalt  }
0x5a: {  	_ =	shalt  }
0x5b: {  	_ =	shalt  }
0x5c: {  	_ =	shalt  }
0x5d: {  	_ =	shalt  }
0x5e: {  	_ =	shalt  }
0x5f: {  	_ =	shalt  }
0x60: {  	_ =	shalt  }
0x61: {  	_ =	shalt  }
0x62: {  	_ =	shalt  }
0x63: {  	_ =	shalt  }
0x64: {  	_ =	shalt  }
0x65: {  	_ =	shalt  }
0x66: {  	_ =	shalt  }
0x67: {  	_ =	shalt  }
0x68: {  	_ =	shalt  }
0x69: {  	_ =	shalt  }
0x6a: {  	_ =	shalt  }
0x6b: {  	_ =	shalt  }
0x6c: {  	_ =	shalt  }
0x6d: {  	_ =	shalt  }
0x6e: {  	_ =	shalt  }
0x6f: {  	_ =	shalt  }
0x70: {  	_ =	shalt  }
0x71: {  	_ =	shalt  }
0x72: {  	_ =	shalt  }
0x73: {  	_ =	shalt  }
0x74: {  	_ =	shalt  }
0x75: {  	_ =	shalt  }
0x76: {  	_ =	shalt  }
0x77: {  	_ =	shalt  }
0x78: {  	_ =	shalt  }
0x79: {  	_ =	shalt  }
0x7a: {  	_ =	shalt  }
0x7b: {  	_ =	shalt  }
0x7c: {  	_ =	shalt  }
0x7d: {  	_ =	shalt  }
0x7e: {  	_ =	shalt  }
0x7f: {  	_ =	shalt  }
0x80: {  	_ =	shalt  }
0x81: {  	_ =	shalt  }
0x82: {  	_ =	shalt  }
0x83: {  	_ =	shalt  }
0x84: {  	_ =	shalt  }
0x85: {  	_ =	shalt  }
0x86: {  	_ =	shalt  }
0x87: {  	_ =	shalt  }
.Lfunc_end0:
.L_simem_size_0:
called_computation.2_lowered:
.L_overlay_start_0:
0x88: {  	s2 =	sld [smem:$0x3FD9]  }
0x89: {  	s3 =	sld [smem:$0x3FFE];
	_ =	sdelay $0x1  }
0x8a: {  	s1 =	srdreg.scid  }
0x8b: {  	s0 =	sand.u32 $0x1, s1  }
0x8c: {  	s17 =	sshll.u32 s0, $0xA;
	s2 =	sadd.s32 s3, s2  }
0x8d: {  	s2 =	sadd.s32 s2, s17  }
0x8e: {  	[smem:$0x3FC0] =	sst s2  }
0x8f: {  	_ = 	snop  }
0x90: {  	s2 =	sld [smem:$0x3FD0];
	(tm) =	ssettm $0x1  }
0x91: {  	s18 =	sld [smem:$0x3FFB];
	_ =	sdelay $0x3  }
0x92: {  	_ =	strace s18  }
0x93: {  	s3 =	sld [smem:$0x3FFC];
	_ =	sdelay $0x3  }
0x94: {  	_ =	strace s3  }
0x95: {  	s3 =	sld [smem:$0x3FFD];
	_ =	sdelay $0x3  }
0x96: {  	_ =	strace s3  }
0x97: {  	_ =	strace $0x8FFFFFFF  }
0x98: {  	s19 =	sld [smem:$0x3FDB];
	_ =	sdelay $0x1  }
0x99: {  	s4 =	simm.s32 $_scs_section_size  }
0x9a: {  	s5 =	simm.s32 $_size__tile_overlayer_lowered;
	s6 =	simm.s32 $_tile_overlayer_lowered  }
0x9b: {  	s22 =	simm.s32 $0x1BFF;
	s21 =	sshll.u32 s6, $0x1;
	s3 =	sadd.s32 s4, s19  }
0x9c: {  	s7 =	simm.s32 $0x0;
	s20 =	sshll.u32 s5, $0x1;
	s5 =	sadd.s32 s21, s3  }
0x9d: {  	[timem:s7], [sflag:s22] =	dma.local [hbm:s5], s20  }
0x9e: {  	_ =	swait.ge [sflag:s22], s20  }
0x9f: {  	s4 =	ssub.s32 $0x0, s20;
	[sflag:s22] =	ssyncset.done $0x0  }
0xa0: {  	[sflag:s22] =	ssyncadd.s32 s4;
	_ =	sdelay $0x1  }
0xa1: {  	s23 =	simm.s32 $0x1B8B  }
0xa2: {  	_ =	swait.ge [sflag:s23], $0x1  }
0xa3: {  	[sflag:s23] =	ssyncset.done $0x0  }
0xa4: {  	s25 =	simm.s32 $0x1B8E;
	s24 =	sld [smem:$0x3FFE];
	[sflag:s23] =	ssyncadd.s32 $0xFFFFFFFF  }
0xa5: {  	s26 =	simm.s32 $execute0_lowered;
	[smem:$0x3FD2] =	sst s25  }
0xa6: {  	s5 =	sshll.u32 s26, $0x1;
	_ =	strace $0x8000004C;
	[dreg:$0x1] =	wrdreg $0xFFFFFFFF  }
0xa7: {  	s28 =	simm.s32 $_size_execute0_lowered;
	s3 =	sadd.s32 s3, s5;
	[dreg:$0x0] =	wrdreg $0x0  }
0xa8: {  	s5 =	sshll.u32 s28, $0x1;
	[dreg:$0x2] =	wrdreg s3  }
0xa9: {  	[dreg:$0x3] =	wrdreg s5  }
0xaa: {  	[dreg:$0x4] =	wrdreg $0xC0  }
0xab: {  	_ =	task [dreg:s7], $0x5FFFF  }
0xac: {  	[dreg:$0x1] =	wrdreg $0xFFFFFFFF  }
0xad: {  	[dreg:$0x0] =	wrdreg $0x60  }
0xae: {  	[dreg:$0x2] =	wrdreg s2  }
0xaf: {  	[dreg:$0x3] =	wrdreg s24  }
0xb0: {  	[dreg:$0x4] =	wrdreg $0x9F000  }
0xb1: {  	[dreg:$0x5] =	wrdreg $0x9  }
0xb2: {  	_ =	task.clear_ibuf [dreg:s7], $0x6FFFF;
	_ =	strace $0x9000004C  }
0xb3: {  	s29 =	simm.s32 $0x9;
	_ =	strace $0x8000004E  }
0xb4: {  	_ =	swait.ge [sflag:s29], $0x1  }
0xb5: {  	[sflag:s29] =	ssyncadd.s32 $0xFFFFFFFF  }
0xb6: {  	_ =	strace $0x9000004E  }
0xb7: {  	_ =	sfence  }
0xb8: {  	s30 =	sld [smem:$0x0];
	_ =	sdelay $0x2  }
0xb9: {  	s31 =	sshll.u32 s1, $0xD;
	s1 =	sshrl.u32 s1, $0x2  }
0xba: {  	s3 =	sand.u32 $0x4000, s31;
	s1 =	sadd.s32 s1, s30  }
0xbb: {  	s0 =	sor.u32 s3, s0;
	s1 =	sshll.u32 s1, $0x11  }
0xbc: {  	s0 =	sor.u32 s1, s0  }
0xbd: {  	s0 =	sadd.s32 $0x8F2B, s0  }
0xbe: {  	[sflag:s0] =	ssyncadd.remote.s32 $0x1  }
0xbf: {  	_ =	sfence.sel $0xFFFF  }
0xc0: {  	[dreg:$0x0] =	wrdreg $0xFFFFFFFF;
	(pc) =	sbr.abs _section_cstart, $3  }
0xc1: {  	[dreg:$0x1] =	wrdreg $0xFFFFFFFF  }
0xc2: {  	_ =	task.clear_ibuf [dreg:s7], $0x2FFFF;
	_ =	strace $0x9FFFFFFF  }
0xc3: {  	(tm) =	ssettm $0x7FFFFFFF  }
tec
execute0_lowered:
.L_overlay_start_1:
0x0: {  	(tag) =	ssettag $0x1  }
0x1: {  	s0 =	rddreg [dreg:$0x0]  }
0x2: {  	s1 =	srdreg.scid;
	s6 =	rddreg [dreg:$0x1]  }
0x3: {  	s3 =	rddreg [dreg:$0x2];
	s2 =	stileid.u32  }
0x4: {  	s4 =	simm.s32 $0x0;
	s13 =	simm.s32 $0x50;
	s14 =	simm.s32 $0x4F00  }
0x5: {  	s15 =	simm.s32 $0x7700;
	s16 =	simm.s32 $0x1;
	s17 =	simm.s32 $0x2  }
0x6: {  	s5 =	sand.u32 $0x1, s1;
	s1 =	rddreg [dreg:$0x3];
	s10 =	smul.u32 $0x50000, s2  }
0x7: {  	s18 =	simm.s32 $0x4E40;
	[smem:$0x7FF] =	sst s4;
	s20 =	smul.u32 $0x2800, s2  }
0x8: {  	s11 =	sshll.u32 s2, $0x6;
	s7 =	sshll.u32 s5, $0x4;
	_ =	strace $0x8000004D  }
0x9: {  	s8 =	smul.u32 $0x28000, s5;
	s9 =	ssub.s32 $0x2, s5;
	s5 =	sadd.s32 $0x15C00, s6  }
0xa: {  	s11 =	sor.u32 $0x1C03, s11;
	s7 =	sor.u32 s2, s7;
	s31 =	sshrl.u32 s9, $0x1  }
0xb: {  	s10 =	sshrl.u32 s10, $0x2;
	s7 =	smul.u32 $0x4E2, s7;
	s8 =	sadd.s32 s8, s6  }
0xc: {  	s9 =	ssub.s32 s9, s31;
	s12 =	sadd.s32 s10, s3;
	s10 =	simm.s32 $0x2780  }
0xd: {  	s19 =	sadd.s32 $0x18400, s8;
	s8 =	smax.u32 s9, $0x1;
	s9 =	simm.s32 $0x3  }
0xe: {  	s12 =	sshrl.u32 s12, $0x3;
	s7 =	sadd.s32 s7, s6;
	s19 =	sadd.s32 s20, s19  }
0xf: {  	s20 =	simm.s32 $0x0;
	s6 =	sadd.s32 $0x2000, s7;
	s7 =	sadd.s32 $0xBE00, s7  }
.LBB2_1:
0x10: {  	[tilespmem:s4], [sflag:$0x3] =	stream.linear.gather [hbm4b:s6+s4], $0x2710, $0x38;
	[tilespmem:$0x1DF00] =	vst v63  }
0x11: {  	_ =	swait.ge [sflag:s9], $0x2710  }
0x12: {  	[sflag:s9] =	ssyncset.done $0x0  }
0x13: {  	[sflag:s9] =	ssyncadd.s32 $0xFFFFD8F0  }
0x14: {  	[tilespmem:s10], [sflag:$0x3] =	stream.linear.gather [hbm4b:s7+s4], $0x2710, $0x38;
	[tilespmem:$0x1DF00] =	vst v63  }
0x15: {  	_ =	swait.ge [sflag:s9], $0x2710  }
0x16: {  	[sflag:s9] =	ssyncset.done $0x0  }
0x17: {  	[sflag:s9] =	ssyncadd.s32 $0xFFFFD8F0  }
0x18: {  	[spmem:s12], [sflag:s11] =	dma.local [hbm:s5], $0x2800  }
0x19: {  	_ =	swait.ge [sflag:s9], $0x2800  }
0x1a: {  	[sflag:s9] =	ssyncset.done $0x0  }
0x1b: {  	[sflag:s9] =	ssyncadd.s32 $0xFFFFD800  }
0x1c: {  	[bflag:$0x0] =	sbarrier.arrive $0xFFFF  }
0x1d: {  	[tilespmem:s14], [sflag:$0x1] =	stream.indirect.gather [hbm4b:s0+s13], $0x80, s4, s13, $0xb8;
	[tilespmem:$0x1DF00] =	vst v63  }
0x1e: {  	s21 =	simm.s32 $0x50  }
0x1f: {  	[tilespmem:s15], [sflag:$0x2] =	stream.indirect.gather [hbm4b:s0+s13], $0x80, s21, s13, $0xb8;
	[tilespmem:$0x1DF00] =	vst v63  }
0x20: {  	_ =	swait.ge [sflag:s16], $0x2800  }
0x21: {  	[sflag:s16] =	ssyncset.done $0x0  }
0x22: {  	s29 =	simm.s32 $0x2780;
	[sflag:s16] =	ssyncadd.s32 $0xFFFFD800  }
0x23: {  	[spmem:s3] =	stream.indirect.scatter.add.f32 [tilespmem:s14], [sflag:$0x3], $0x80, s29, s13, $0xb8;
	[tilespmem:$0x1DF00] =	vst v63  }
0x24: {  	_ =	swait.ge [sflag:s9], $0x2800  }
0x25: {  	[sflag:s9] =	ssyncset.done $0x0  }
0x26: {  	s30 =	simm.s32 $0xA0;
	[sflag:s9] =	ssyncadd.s32 $0xFFFFD800  }
0x27: {  	[tilespmem:s14], [sflag:$0x1] =	stream.indirect.gather [hbm4b:s0+s13], $0x80, s30, s13, $0xb8;
	[tilespmem:$0x1DF00] =	vst v63  }
0x28: {  	_ =	swait.ge [sflag:s17], $0x2800  }
0x29: {  	[sflag:s17] =	ssyncset.done $0x0  }
0x2a: {  	s31 =	simm.s32 $0x27D0;
	[sflag:s17] =	ssyncadd.s32 $0xFFFFD800  }
0x2b: {  	[spmem:s3] =	stream.indirect.scatter.add.f32 [tilespmem:s15], [sflag:$0x3], $0x80, s31, s13, $0xb8;
	[tilespmem:$0x1DF00] =	vst v63  }
0x2c: {  	_ =	swait.ge [sflag:s9], $0x2800  }
0x2d: {  	s22 =	simm.s32 $0x500;
	s21 =	simm.s32 $0xA0;
	[sflag:s9] =	ssyncset.done $0x0  }
.LBB2_2:
0x2e: {  	s23 =	sadd.s32 $0x50, s21  }
0x2f: {  	[sflag:s9] =	ssyncadd.s32 $0xFFFFD800;
	s24 =	smov.u32 s22;
	s25 =	sadd.s32 $0x280, s22  }
0x30: {  	[tilespmem:s15], [sflag:$0x2] =	stream.indirect.gather [hbm4b:s0+s13], $0x80, s23, s13, $0xb8;
	[tilespmem:$0x1DF00] =	vst v63  }
0x31: {  	p0 =	sne.s32 s22, $0x9880;
	_ =	swait.ge [sflag:s16], $0x2800  }
0x32: {  	[sflag:s16] =	ssyncset.done $0x0  }
0x33: {  	s22 =	sadd.s32 $0x2780, s21;
	[sflag:s16] =	ssyncadd.s32 $0xFFFFD800  }
0x34: {  	[spmem:s3] =	stream.indirect.scatter.add.f32 [tilespmem:s14], [sflag:$0x3], $0x80, s22, s13, $0xb8;
	[tilespmem:$0x1DF00] =	vst v63  }
0x35: {  	_ =	swait.ge [sflag:s9], $0x2800  }
0x36: {  	[sflag:s9] =	ssyncset.done $0x0  }
0x37: {  	s22 =	sadd.s32 $0xA0, s21;
	[sflag:s9] =	ssyncadd.s32 $0xFFFFD800  }
0x38: {  	[tilespmem:s14], [sflag:$0x1] =	stream.indirect.gather [hbm4b:s0+s13], $0x80, s22, s13, $0xb8;
	[tilespmem:$0x1DF00] =	vst v63  }
0x39: {  	_ =	swait.ge [sflag:s17], $0x2800  }
.Ltmp0:
0x3a: {  	[sflag:s17] =	ssyncset.done $0x0;
	(pc) =	sbr.rel @p0 .LBB2_2-.Ltmp0, $4  }
0x3b: {  	s21 =	sadd.s32 $0x27D0, s21;
	[sflag:s17] =	ssyncadd.s32 $0xFFFFD800  }
0x3c: {  	[spmem:s3] =	stream.indirect.scatter.add.f32 [tilespmem:s15], [sflag:$0x3], $0x80, s21, s13, $0xb8;
	[tilespmem:$0x1DF00] =	vst v63  }
0x3d: {  	_ =	swait.ge [sflag:s9], $0x2800  }
0x3e: {  	s22 =	smov.u32 s25;
	s21 =	sshra.s32 s24, $0x2;
	[sflag:s9] =	ssyncset.done $0x0  }
0x3f: {  	s22 =	sadd.s32 $0x50, s21;
	[sflag:s9] =	ssyncadd.s32 $0xFFFFD800  }
0x40: {  	[tilespmem:s15], [sflag:$0x2] =	stream.indirect.gather [hbm4b:s0+s13], $0x80, s22, s13, $0xb8;
	[tilespmem:$0x1DF00] =	vst v63  }
0x41: {  	_ =	swait.ge [sflag:s16], $0x2800  }
0x42: {  	[sflag:s16] =	ssyncset.done $0x0  }
0x43: {  	s29 =	sadd.s32 $0x2780, s21;
	[sflag:s16] =	ssyncadd.s32 $0xFFFFD800  }
0x44: {  	[spmem:s3] =	stream.indirect.scatter.add.f32 [tilespmem:s14], [sflag:$0x3], $0x80, s29, s13, $0xb8;
	[tilespmem:$0x1DF00] =	vst v63  }
0x45: {  	_ =	swait.ge [sflag:s9], $0x2800  }
0x46: {  	[sflag:s9] =	ssyncset.done $0x0  }
0x47: {  	s30 =	sadd.s32 $0xA0, s21;
	[sflag:s9] =	ssyncadd.s32 $0xFFFFD800  }
0x48: {  	[tilespmem:s14], [sflag:$0x1] =	stream.indirect.gather [hbm4b:s0+s13], $0x80, s30, s13, $0xb8;
	[tilespmem:$0x1DF00] =	vst v63  }
0x49: {  	_ =	swait.ge [sflag:s17], $0x2800  }
0x4a: {  	[sflag:s17] =	ssyncset.done $0x0  }
0x4b: {  	s31 =	sadd.s32 $0x27D0, s21;
	[sflag:s17] =	ssyncadd.s32 $0xFFFFD800  }
0x4c: {  	[spmem:s3] =	stream.indirect.scatter.add.f32 [tilespmem:s15], [sflag:$0x3], $0x80, s31, s13, $0xb8;
	[tilespmem:$0x1DF00] =	vst v63  }
0x4d: {  	_ =	swait.ge [sflag:s9], $0x2800  }
0x4e: {  	[sflag:s9] =	ssyncset.done $0x0  }
0x4f: {  	[sflag:s9] =	ssyncadd.s32 $0xFFFFD800  }
0x50: {  	_ =	swait.ge [sflag:s16], $0x2800  }
0x51: {  	[sflag:s16] =	ssyncset.done $0x0  }
0x52: {  	[sflag:s16] =	ssyncadd.s32 $0xFFFFD800  }
0x53: {  	[spmem:s3] =	stream.indirect.scatter.add.f32 [tilespmem:s14], [sflag:$0x3], $0x80, s18, s13, $0xb8;
	[tilespmem:$0x1DF00] =	vst v63  }
0x54: {  	_ =	swait.ge [sflag:s9], $0x2800  }
0x55: {  	s20 =	sadd.s32 $0x1, s20;
	[sflag:s9] =	ssyncset.done $0x0  }
0x56: {  	p0 =	sne.s32 s20, s8;
	[sflag:s9] =	ssyncadd.s32 $0xFFFFD800  }
.Ltmp1:
0x57: {  	[bflag:$0x0] =	sbarrier.arrive $0xFFFF;
	(pc) =	sbr.rel @p0 .LBB2_1-.Ltmp1, $4  }
0x58: {  	[hbm:s19], [sflag:s11] =	dma.local [spmem:s12], $0x2800  }
0x59: {  	_ =	swait.ge [sflag:s9], $0x2800  }
0x5a: {  	[sflag:s9] =	ssyncset.done $0x0  }
0x5b: {  	[sflag:s9] =	ssyncadd.s32 $0xFFFFD800  }
0x5c: {  	_ =	sfence.sel $0x180000  }
0x5d: {  	[bflag:$0x0] =	sbarrier.arrive $0xFFFF  }
0x5e: {  	p0 =	sne.s32 s2, $0x0;
	_ =	strace $0x9000004D  }
0x5f: {  	s0 =	sadd.s32 @!p0 $0x100000, s1;
	[bflag:$0x2] =	sbarrier.arrive $0xFFFF  }
0x60: {  	[sflag:s0] =	ssyncadd.tile.s32 @!p0 $0x1;
	_ =	shalt  }
.Lfunc_end2:
_tile_overlayer_lowered:
.L_overlay_start_2:
0x61: {  	(tag) =	ssettag $0x2  }
0x62: {  	s0 =	rddreg [dreg:$0x0];
	s2 =	stileid.u32  }
0x63: {  	s1 =	rddreg [dreg:$0x1];
	p0 =	sne.s32 s2, $0x0  }
0x64: {  	s3 =	rddreg [dreg:$0x2];
	[bflag:$0x3] =	sbarrier.arrive $0xFFFF;
	s2 =	simm.s32 @!p0 $0x1C03  }
0x65: {  	[timem:s3], [sflag:s2] =	dma.local @!p0 [hbm:s0], s1  }
0x66: {  	s0 =	simm.s32 @!p0 $0x3  }
0x67: {  	_ =	swait.ge @!p0 [sflag:s0], s1  }
0x68: {  	s1 =	ssub.s32 @!p0 $0x0, s1;
	[sflag:s0] =	ssyncset.done @!p0 $0x0  }
0x69: {  	[sflag:s0] =	ssyncadd.s32 @!p0 s1  }
0x6a: {  	[bflag:$0x3] =	sbarrier.arrive $0xFFFF  }
0x6b: {  	_ =	shalt  }

// kernel: kernel.8.cloned.1.call-start
scs
__scs_entry_jumppad:
0x0: {  	(pc) =	sbr.rel $0x88, $3  }
0x1: {  	(tag) =	ssettag $0x0;
	lr =	simm.s32 $0x1  }
0x2: {  	[smem:$0x3F99] =	sst lr;
	_ =	strace $0xD0000000  }
0x3: {  	_ = 	snop  }
0x4: {  	_ = 	snop  }
0x5: {  	_ = 	snop  }
0x6: {  	_ = 	snop  }
0x7: {  	_ = 	snop  }
__scs_overlays_trampoline_lowered:
0x8: {  	[smem:$0x3FA8] =	sst s0  }
0x9: {  	[smem:$0x3FA9] =	sst s1  }
0xa: {  	[smem:$0x3FAA] =	sst s2  }
0xb: {  	[smem:$0x3FAB] =	sst s3  }
0xc: {  	[smem:$0x3FAC] =	sst s4  }
0xd: {  	[smem:$0x3FAD] =	sst s5  }
0xe: {  	[smem:$0x3FAE] =	sst s6  }
0xf: {  	[smem:$0x3FAF] =	sst s7  }
0x10: {  	[smem:$0x3FB0] =	sst s8  }
0x11: {  	[smem:$0x3FB1] =	sst s9;
	s0 =	simm.s32 @!p0 $0x0  }
0x12: {  	s1 =	sld [smem:$0x3F97];
	s0 =	simm.s32 @p0 $0x1  }
0x13: {  	[smem:$0x3FB2] =	sst s0;
	s0 =	simm.s32 @!p1 $0x0  }
0x14: {  	s2 =	sld [smem:$0x3F96];
	s0 =	simm.s32 @p1 $0x1  }
0x15: {  	[smem:$0x3FB3] =	sst s0;
	s0 =	simm.s32 @!p2 $0x0  }
0x16: {  	s3 =	sld [smem:$0x3FDB];
	s0 =	simm.s32 @p2 $0x1  }
0x17: {  	s4 =	simm.s32 $0x1BF5;
	[smem:$0x3FB5] =	sst s0  }
0x18: {  	s0 =	sld [smem:$0x3F98];
	_ =	swait.ge [sflag:s4], $0x0  }
0x19: {  	s7 =	sld [smem:$0x3F99]  }
0x1a: {  	s8 =	sadd.s32 $0xFFFFE003, lr  }
0x1b: {  	s9 =	sadd.s32 $0xFFFFFEF7, lr;
	s5 =	simm.s32 $0xFFFFFFFF;
	p2 =	slt.u32 s8, $0xFFFFF086  }
0x1c: {  	p1 =	slt.u32 s9, $0xF7A;
	s5 =	simm.s32 @!p2 $0x0  }
0x1d: {  	s5 =	simm.s32 @p1 $0x1;
	p0 =	seq.s32 s7, s2  }
0x1e: {  	s7 =	smul.u32 @!p0 $0xF7A, s2;
	p2 =	seq.s32 @!p0 s5, $0x0  }
0x1f: {  	s9 =	smul.u32 $0xF7A, s1;
	s8 =	simm.s32 @!p0 $0x1BF5;
	p2 =	por !p2, p0  }
0x20: {  	[sflag:s8] =	ssyncset.s32 @!p0 $0xFFFFF086;
	s6 =	sadd.s32 @!p0 s3, s7;
	s7 =	simm.s32 @!p0 $0x108  }
0x21: {  	s3 =	sadd.s32 s3, s9;
	s6 =	sadd.s32 @!p0 $0x88, s6;
	s7 =	simm.s32 @p2 $0x1082  }
0x22: {  	[simem:s7], [sflag:s8] =	dma.local @!p0 [hbm:s6], $0xF7A  }
0x23: {  	s9 =	sor.u32 $0xD0000000, s2;
	s6 =	simm.s32 $0x108;
	_ =	swait.ge @!p0 [sflag:s8], $0x0  }
0x24: {  	s3 =	sadd.s32 $0x88, s3;
	s6 =	simm.s32 @!p1 $0x1082;
	[sflag:s4] =	ssyncset.s32 $0xFFFFF086  }
0x25: {  	[simem:s6], [sflag:s4] =	dma.local [hbm:s3], $0xF7A  }
0x26: {  	[smem:$0x3F99] =	sst s1;
	(tag) =	ssettag s2;
	_ =	strace s9  }
0x27: {  	s1 =	sld [smem:$0x3FA9]  }
0x28: {  	s2 =	sld [smem:$0x3FAA]  }
0x29: {  	s4 =	sld [smem:$0x3FAC]  }
0x2a: {  	p0 =	seq.s32 s5, $0x0;
	s5 =	sld [smem:$0x3FAD]  }
0x2b: {  	s6 =	sld [smem:$0x3FAE]  }
0x2c: {  	s7 =	sld [smem:$0x3FAF]  }
0x2d: {  	s3 =	simm.s32 $0x108;
	s8 =	sld [smem:$0x3FB0]  }
0x2e: {  	s3 =	simm.s32 @!p0 $0x1082;
	s9 =	sld [smem:$0x3FB1]  }
0x2f: {  	lr =	sadd.s32 s0, s3;
	s0 =	sld [smem:$0x3FA8]  }
0x30: {  	s3 =	sld [smem:$0x3FAB]  }
0x31: {  	[smem:$0x3FB4] =	sst s10  }
0x32: {  	s10 =	sld [smem:$0x3FB2];
	_ =	sdelay $0x3  }
0x33: {  	p0 =	seq.s32 s10, $0x1;
	s10 =	sld [smem:$0x3FB4];
	_ =	sdelay $0x3  }
0x34: {  	[smem:$0x3FB4] =	sst s10  }
0x35: {  	s10 =	sld [smem:$0x3FB3];
	_ =	sdelay $0x3  }
0x36: {  	p1 =	seq.s32 s10, $0x1;
	s10 =	sld [smem:$0x3FB4];
	_ =	sdelay $0x3  }
0x37: {  	[smem:$0x3FB4] =	sst s10  }
0x38: {  	s10 =	sld [smem:$0x3FB5]  }
0x39: {  	_ = 	snop;
	(pc) =	sbr.ind lr, $3  }
0x3a: {  	_ = 	snop  }
0x3b: {  	_ = 	snop  }
0x3c: {  	p2 =	seq.s32 s10, $0x1;
	s10 =	sld [smem:$0x3FB4]  }
0x3d: {  	_ =	shalt  }
0x3e: {  	_ =	shalt  }
0x3f: {  	_ =	shalt  }
0x40: {  	_ =	shalt  }
0x41: {  	_ =	shalt  }
0x42: {  	_ =	shalt  }
0x43: {  	_ =	shalt  }
0x44: {  	_ =	shalt  }
0x45: {  	_ =	shalt  }
0x46: {  	_ =	shalt  }
0x47: {  	_ =	shalt  }
0x48: {  	_ =	shalt  }
0x49: {  	_ =	shalt  }
0x4a: {  	_ =	shalt  }
0x4b: {  	_ =	shalt  }
0x4c: {  	_ =	shalt  }
0x4d: {  	_ =	shalt  }
0x4e: {  	_ =	shalt  }
0x4f: {  	_ =	shalt  }
0x50: {  	_ =	shalt  }
0x51: {  	_ =	shalt  }
0x52: {  	_ =	shalt  }
0x53: {  	_ =	shalt  }
0x54: {  	_ =	shalt  }
0x55: {  	_ =	shalt  }
0x56: {  	_ =	shalt  }
0x57: {  	_ =	shalt  }
0x58: {  	_ =	shalt  }
0x59: {  	_ =	shalt  }
0x5a: {  	_ =	shalt  }
0x5b: {  	_ =	shalt  }
0x5c: {  	_ =	shalt  }
0x5d: {  	_ =	shalt  }
0x5e: {  	_ =	shalt  }
0x5f: {  	_ =	shalt  }
0x60: {  	_ =	shalt  }
0x61: {  	_ =	shalt  }
0x62: {  	_ =	shalt  }
0x63: {  	_ =	shalt  }
0x64: {  	_ =	shalt  }
0x65: {  	_ =	shalt  }
0x66: {  	_ =	shalt  }
0x67: {  	_ =	shalt  }
0x68: {  	_ =	shalt  }
0x69: {  	_ =	shalt  }
0x6a: {  	_ =	shalt  }
0x6b: {  	_ =	shalt  }
0x6c: {  	_ =	shalt  }
0x6d: {  	_ =	shalt  }
0x6e: {  	_ =	shalt  }
0x6f: {  	_ =	shalt  }
0x70: {  	_ =	shalt  }
0x71: {  	_ =	shalt  }
0x72: {  	_ =	shalt  }
0x73: {  	_ =	shalt  }
0x74: {  	_ =	shalt  }
0x75: {  	_ =	shalt  }
0x76: {  	_ =	shalt  }
0x77: {  	_ =	shalt  }
0x78: {  	_ =	shalt  }
0x79: {  	_ =	shalt  }
0x7a: {  	_ =	shalt  }
0x7b: {  	_ =	shalt  }
0x7c: {  	_ =	shalt  }
0x7d: {  	_ =	shalt  }
0x7e: {  	_ =	shalt  }
0x7f: {  	_ =	shalt  }
0x80: {  	_ =	shalt  }
0x81: {  	_ =	shalt  }
0x82: {  	_ =	shalt  }
0x83: {  	_ =	shalt  }
0x84: {  	_ =	shalt  }
0x85: {  	_ =	shalt  }
0x86: {  	_ =	shalt  }
0x87: {  	_ =	shalt  }
.Lfunc_end0:
.L_simem_size_0:
called_computation_lowered:
.L_overlay_start_0:
0x88: {  	s2 =	sld [smem:$0x3FD9]  }
0x89: {  	s3 =	sld [smem:$0x3FFE];
	_ =	sdelay $0x1  }
0x8a: {  	s1 =	srdreg.scid  }
0x8b: {  	s0 =	sand.u32 $0x1, s1  }
0x8c: {  	s17 =	sshll.u32 s0, $0xA;
	s2 =	sadd.s32 s3, s2  }
0x8d: {  	s2 =	sadd.s32 s2, s17  }
0x8e: {  	[smem:$0x3FC0] =	sst s2  }
0x8f: {  	_ = 	snop  }
0x90: {  	s2 =	sld [smem:$0x3FD0];
	(tm) =	ssettm $0x1  }
0x91: {  	s18 =	sld [smem:$0x3FFB];
	_ =	sdelay $0x3  }
0x92: {  	_ =	strace s18  }
0x93: {  	s3 =	sld [smem:$0x3FFC];
	_ =	sdelay $0x3  }
0x94: {  	_ =	strace s3  }
0x95: {  	s3 =	sld [smem:$0x3FFD];
	_ =	sdelay $0x3  }
0x96: {  	_ =	strace s3  }
0x97: {  	_ =	strace $0x8FFFFFFF  }
0x98: {  	s19 =	sld [smem:$0x3FDB];
	_ =	sdelay $0x1  }
0x99: {  	s4 =	simm.s32 $_scs_section_size  }
0x9a: {  	s5 =	simm.s32 $_size__tile_overlayer_lowered;
	s6 =	simm.s32 $_tile_overlayer_lowered  }
0x9b: {  	s22 =	simm.s32 $0x1BFF;
	s21 =	sshll.u32 s6, $0x1;
	s3 =	sadd.s32 s4, s19  }
0x9c: {  	s7 =	simm.s32 $0x0;
	s20 =	sshll.u32 s5, $0x1;
	s5 =	sadd.s32 s21, s3  }
0x9d: {  	[timem:s7], [sflag:s22] =	dma.local [hbm:s5], s20  }
0x9e: {  	_ =	swait.ge [sflag:s22], s20  }
0x9f: {  	s4 =	ssub.s32 $0x0, s20;
	[sflag:s22] =	ssyncset.done $0x0  }
0xa0: {  	[sflag:s22] =	ssyncadd.s32 s4;
	_ =	sdelay $0x1  }
0xa1: {  	s23 =	simm.s32 $0x1B8B  }
0xa2: {  	_ =	swait.ge [sflag:s23], $0x1  }
0xa3: {  	[sflag:s23] =	ssyncset.done $0x0  }
0xa4: {  	s25 =	simm.s32 $0x1B8E;
	s24 =	sld [smem:$0x3FFE];
	[sflag:s23] =	ssyncadd.s32 $0xFFFFFFFF  }
0xa5: {  	s26 =	simm.s32 $execute0_lowered;
	[smem:$0x3FD2] =	sst s25  }
0xa6: {  	s5 =	sshll.u32 s26, $0x1;
	_ =	strace $0x80000046;
	[dreg:$0x1] =	wrdreg $0xFFFFFFFF  }
0xa7: {  	s28 =	simm.s32 $_size_execute0_lowered;
	s3 =	sadd.s32 s3, s5;
	[dreg:$0x0] =	wrdreg $0x0  }
0xa8: {  	s5 =	sshll.u32 s28, $0x1;
	[dreg:$0x2] =	wrdreg s3  }
0xa9: {  	[dreg:$0x3] =	wrdreg s5  }
0xaa: {  	[dreg:$0x4] =	wrdreg $0xC0  }
0xab: {  	_ =	task [dreg:s7], $0x5FFFF  }
0xac: {  	[dreg:$0x1] =	wrdreg $0xFFFFFFFF  }
0xad: {  	[dreg:$0x0] =	wrdreg $0x60  }
0xae: {  	[dreg:$0x2] =	wrdreg s24  }
0xaf: {  	[dreg:$0x3] =	wrdreg s2  }
0xb0: {  	[dreg:$0x4] =	wrdreg $0x28000  }
0xb1: {  	[dreg:$0x5] =	wrdreg $0x9  }
0xb2: {  	_ =	task.clear_ibuf [dreg:s7], $0x6FFFF;
	_ =	strace $0x90000046  }
0xb3: {  	s29 =	simm.s32 $0x9;
	_ =	strace $0x80000048  }
0xb4: {  	_ =	swait.ge [sflag:s29], $0x1  }
0xb5: {  	[sflag:s29] =	ssyncadd.s32 $0xFFFFFFFF  }
0xb6: {  	_ =	strace $0x90000048  }
0xb7: {  	_ =	sfence  }
0xb8: {  	s30 =	sld [smem:$0x0];
	_ =	sdelay $0x2  }
0xb9: {  	s31 =	sshll.u32 s1, $0xD;
	s1 =	sshrl.u32 s1, $0x2  }
0xba: {  	s3 =	sand.u32 $0x4000, s31;
	s1 =	sadd.s32 s1, s30  }
0xbb: {  	s0 =	sor.u32 s3, s0;
	s1 =	sshll.u32 s1, $0x11  }
0xbc: {  	s0 =	sor.u32 s1, s0  }
0xbd: {  	s0 =	sadd.s32 $0x8F2B, s0  }
0xbe: {  	[sflag:s0] =	ssyncadd.remote.s32 $0x1  }
0xbf: {  	_ =	sfence.sel $0xFFFF  }
0xc0: {  	[dreg:$0x0] =	wrdreg $0xFFFFFFFF;
	(pc) =	sbr.abs _section_cstart, $3  }
0xc1: {  	[dreg:$0x1] =	wrdreg $0xFFFFFFFF  }
0xc2: {  	_ =	task.clear_ibuf [dreg:s7], $0x2FFFF;
	_ =	strace $0x9FFFFFFF  }
0xc3: {  	(tm) =	ssettm $0x7FFFFFFF  }
tec
execute0_lowered:
.L_overlay_start_1:
0x0: {  	(tag) =	ssettag $0x1  }
0x1: {  	s5 =	rddreg [dreg:$0x0]  }
0x2: {  	s7 =	rddreg [dreg:$0x1]  }
0x3: {  	s0 =	srdreg.scid;
	s2 =	rddreg [dreg:$0x2]  }
0x4: {  	s3 =	simm.s32 $0x0;
	s13 =	simm.s32 $0x50;
	s14 =	simm.s32 $0x0  }
0x5: {  	s4 =	sand.u32 $0x1, s0;
	s0 =	stileid.u32;
	[smem:$0x7FF] =	sst s3  }
0x6: {  	s1 =	sshll.u32 s4, $0x4;
	s8 =	smul.u32 $0x280, s0;
	s9 =	ssub.s32 $0x2, s4  }
0x7: {  	s10 =	smul.u32 $0x2800, s4;
	s4 =	sadd.s32 $0x15E00, s5;
	s31 =	sshll.u32 s0, $0x6  }
0x8: {  	s6 =	sor.u32 s0, s1;
	s1 =	rddreg [dreg:$0x3];
	s11 =	sshrl.u32 s9, $0x1  }
0x9: {  	_ =	strace $0x80000047;
	s6 =	smul.u32 $0x4E2, s6;
	s9 =	ssub.s32 s9, s11  }
0xa: {  	s10 =	sadd.s32 s8, s10;
	s12 =	sadd.s32 s8, s2;
	s11 =	sor.u32 $0x1C01, s31  }
0xb: {  	s30 =	sshrl.u32 s10, $0x3;
	s8 =	smax.u32 s9, $0x1;
	s9 =	simm.s32 $0x1  }
0xc: {  	s10 =	simm.s32 $0x2780;
	s12 =	sshrl.u32 s12, $0x3;
	s6 =	sadd.s32 s6, s5  }
0xd: {  	s5 =	sadd.s32 $0x15C00, s5;
	s7 =	sadd.s32 s7, s30;
	s6 =	sadd.s32 $0xBE00, s6  }
.LBB2_1:
0xe: {  	[tilespmem:s3], [sflag:$0x1] =	stream.linear.gather [hbm4b:s6+s3], $0x2710, $0x38;
	[tilespmem:$0x2A80] =	vst v63  }
0xf: {  	_ =	swait.ge [sflag:s9], $0x2710  }
0x10: {  	[sflag:s9] =	ssyncset.done $0x0  }
0x11: {  	[sflag:s9] =	ssyncadd.s32 $0xFFFFD8F0  }
0x12: {  	[tilespmem:s10], [sflag:$0x1] =	stream.linear.gather [hbm4b:s4+s3], $0x80, $0x38;
	[tilespmem:$0x2A80] =	vst v63  }
0x13: {  	_ =	swait.ge [sflag:s9], $0x80  }
0x14: {  	[sflag:s9] =	ssyncset.done $0x0  }
0x15: {  	[sflag:s9] =	ssyncadd.s32 $0xFFFFFF80  }
0x16: {  	[spmem:s12], [sflag:s11] =	dma.local [hbm:s5], $0x50  }
0x17: {  	_ =	swait.ge [sflag:s9], $0x50  }
0x18: {  	[sflag:s9] =	ssyncset.done $0x0  }
0x19: {  	[sflag:s9] =	ssyncadd.s32 $0xFFFFFFB0  }
0x1a: {  	s15 =	simm.s32 $0x0;
	[bflag:$0x0] =	sbarrier.arrive $0xFFFF  }
0x1b: {  	[spmem:s2] =	stream.indirect.scatter.add.f32 [tilespmem:s10], [sflag:$0x1], $0x1, s15, s13, $0xb8;
	[tilespmem:$0x2A80] =	vst v63  }
0x1c: {  	_ =	swait.ge [sflag:s9], $0x50  }
0x1d: {  	s15 =	simm.s32 $0x140;
	[sflag:s9] =	ssyncset.done $0x0  }
.LBB2_2:
0x1e: {  	s16 =	sshra.s32 s15, $0x2;
	[sflag:s9] =	ssyncadd.s32 $0xFFFFFFB0;
	p0 =	sne.s32 s15, $0x9B00  }
0x1f: {  	[spmem:s2] =	stream.indirect.scatter.add.f32 [tilespmem:s10], [sflag:$0x1], $0x1, s16, s13, $0xb8;
	[tilespmem:$0x2A80] =	vst v63  }
.Ltmp0:
0x20: {  	_ = 	snop;
	(pc) =	sbr.rel @p0 .LBB2_2-.Ltmp0, $4  }
0x21: {  	_ = 	snop  }
0x22: {  	s15 =	sadd.s32 $0x140, s15  }
0x23: {  	_ =	swait.ge [sflag:s9], $0x50  }
0x24: {  	[sflag:s9] =	ssyncset.done $0x0  }
0x25: {  	s14 =	sadd.s32 $0x1, s14  }
0x26: {  	[sflag:s9] =	ssyncadd.s32 $0xFFFFFFB0;
	p0 =	sne.s32 s14, s8  }
.Ltmp1:
0x27: {  	[bflag:$0x0] =	sbarrier.arrive $0xFFFF;
	(pc) =	sbr.rel @p0 .LBB2_1-.Ltmp1, $4  }
0x28: {  	[hbm:s7], [sflag:s11] =	dma.local [spmem:s12], $0x50  }
0x29: {  	_ =	swait.ge [sflag:s9], $0x50  }
0x2a: {  	[sflag:s9] =	ssyncset.done $0x0  }
0x2b: {  	[sflag:s9] =	ssyncadd.s32 $0xFFFFFFB0  }
0x2c: {  	_ =	sfence.sel $0x180000  }
0x2d: {  	[bflag:$0x0] =	sbarrier.arrive $0xFFFF  }
0x2e: {  	p0 =	sne.s32 s0, $0x0;
	_ =	strace $0x90000047  }
0x2f: {  	s0 =	sadd.s32 @!p0 $0x100000, s1;
	[bflag:$0x2] =	sbarrier.arrive $0xFFFF  }
0x30: {  	[sflag:s0] =	ssyncadd.tile.s32 @!p0 $0x1;
	_ =	shalt  }
.Lfunc_end2:
_tile_overlayer_lowered:
.L_overlay_start_2:
0x31: {  	(tag) =	ssettag $0x2  }
0x32: {  	s0 =	rddreg [dreg:$0x0];
	s2 =	stileid.u32  }
0x33: {  	s1 =	rddreg [dreg:$0x1];
	p0 =	sne.s32 s2, $0x0  }
0x34: {  	s3 =	rddreg [dreg:$0x2];
	[bflag:$0x3] =	sbarrier.arrive $0xFFFF;
	s2 =	simm.s32 @!p0 $0x1C01  }
0x35: {  	[timem:s3], [sflag:s2] =	dma.local @!p0 [hbm:s0], s1  }
0x36: {  	s0 =	simm.s32 @!p0 $0x1  }
0x37: {  	_ =	swait.ge @!p0 [sflag:s0], s1  }
0x38: {  	s1 =	ssub.s32 @!p0 $0x0, s1;
	[sflag:s0] =	ssyncset.done @!p0 $0x0  }
0x39: {  	[sflag:s0] =	ssyncadd.s32 @!p0 s1  }
0x3a: {  	[bflag:$0x3] =	sbarrier.arrive $0xFFFF  }
0x3b: {  	_ =	shalt  }

</sc_bundles>
